<compile_context>
chip_gen: v7x
topology: tpu7x:2x2x1
jax: 0.10.2.dev20260603
libtpu: 0.0.44.dev20260713+nightly
codegen_flags: <defaults>
</compile_context>

<pallas_src>
import functools

import jax
import jax.numpy as jnp
from jax import lax
from jax.experimental import pallas as pl
from jax.experimental.pallas import tpu as pltpu
from jax.experimental.pallas import tpu_sc as plsc

B = 16384
D = 64
N_USERS = 1000000
N_ANIME = 100000
NC = 2
NS = 16
NW = NC * NS
BPW = B // NW
CHUNK = 128
N_CHUNKS = BPW // CHUNK
W = 512
DB = 512


def _pair_body(in_ref, out_ref):
    x = in_ref[...]
    y = jnp.swapaxes(x, 0, 1)
    out_ref[...] = jnp.concatenate([y[:W // 2], y[W // 2:]], axis=1)


def _make_pair(n):
    grid = (n + W - 1) // W
    return pl.pallas_call(
        _pair_body,
        grid=(grid,),
        in_specs=[pl.BlockSpec((D, W), lambda i: (0, i))],
        out_specs=pl.BlockSpec((W // 2, 128), lambda i: (i, 0)),
        out_shape=jax.ShapeDtypeStruct((grid * (W // 2), 128), jnp.float32),
    )


def _rho(v):
    return (jnp.bitwise_and(v, -512)
            + lax.shift_left(jnp.bitwise_and(v, 255), 1)
            + jnp.bitwise_and(lax.shift_right_logical(v, 8), 1))


def _gather_body(user_hbm, anime_hbm, uf_hbm, af_hbm, outu_hbm, outa_hbm,
                 uidx, aidx, urows, arows, sems):
    wid = lax.axis_index("s") * NC + lax.axis_index("c")
    base = pl.multiple_of(wid * BPW, BPW)

    for q in range(N_CHUNKS):
        pltpu.sync_copy(user_hbm.at[pl.ds(base + q * CHUNK, CHUNK)],
                        uidx.at[q])
        pltpu.sync_copy(anime_hbm.at[pl.ds(base + q * CHUNK, CHUNK)],
                        aidx.at[q])

    def fire(q):
        buf = q % 2
        pltpu.async_copy(uf_hbm.at[uidx.at[q]], urows.at[buf],
                         sems.at[buf, 0])
        pltpu.async_copy(af_hbm.at[aidx.at[q]], arows.at[buf],
                         sems.at[buf, 1])

    def drain(q):
        buf = q % 2
        pltpu.make_async_copy(uf_hbm.at[uidx.at[q]], urows.at[buf],
                              sems.at[buf, 0]).wait()
        pltpu.make_async_copy(af_hbm.at[aidx.at[q]], arows.at[buf],
                              sems.at[buf, 1]).wait()

    fire(0)
    for q in range(N_CHUNKS):
        buf = q % 2
        if q + 1 < N_CHUNKS:
            fire(q + 1)
        drain(q)
        sl = pl.ds(base + q * CHUNK, CHUNK)
        pltpu.sync_copy(urows.at[buf], outu_hbm.at[sl])
        pltpu.sync_copy(arows.at[buf], outa_hbm.at[sl])


_gather_kernel = functools.partial(
    pl.kernel,
    out_type=(jax.ShapeDtypeStruct((B, D), jnp.float32),
              jax.ShapeDtypeStruct((B, D), jnp.float32)),
    mesh=plsc.VectorSubcoreMesh(core_axis_name="c", subcore_axis_name="s"),
    scratch_types=[
        pltpu.VMEM((N_CHUNKS, CHUNK), jnp.int32),
        pltpu.VMEM((N_CHUNKS, CHUNK), jnp.int32),
        pltpu.VMEM((2, CHUNK, D), jnp.float32),
        pltpu.VMEM((2, CHUNK, D), jnp.float32),
        pltpu.SemaphoreType.DMA((2, 2)),
    ],
    compiler_params=pltpu.CompilerParams(use_tc_tiling_on_sc=False),
)(_gather_body)


def _dot_body(u_ref, a_ref, s0_ref, s1_ref):
    p = u_ref[...] * a_ref[...]
    s0_ref[...] = jnp.sum(p[:, :D], axis=1)
    s1_ref[...] = jnp.sum(p[:, D:], axis=1)


_dot_kernel = pl.pallas_call(
    _dot_body,
    grid=(B // 2 // DB,),
    in_specs=[pl.BlockSpec((DB, 128), lambda i: (i, 0)),
              pl.BlockSpec((DB, 128), lambda i: (i, 0))],
    out_specs=(pl.BlockSpec((DB,), lambda i: (i,)),
               pl.BlockSpec((DB,), lambda i: (i,))),
    out_shape=(jax.ShapeDtypeStruct((B // 2,), jnp.float32),
               jax.ShapeDtypeStruct((B // 2,), jnp.float32)),
)


def kernel(user, anime, user_factors, anime_factors):
    g_u, g_a = _gather_kernel(user.astype(jnp.int32),
                              anime.astype(jnp.int32),
                              user_factors, anime_factors)
    s0, s1 = _dot_kernel(g_u.reshape(B // 2, 128), g_a.reshape(B // 2, 128))
    return jnp.stack([s0, s1], axis=1).reshape(B)

# --- scband reference (transcript-rebuilt; emitter-appended) ---
"""Pipeline reference for scband-matrix-factorization-43757126812257 (READ-ONLY COPY).

The authoritative reference and input builder live on the scoring server;
editing this copy changes nothing except your own understanding.
"""

import jax, jax.numpy as jnp
import numpy as np

N_USERS = 1000000
N_ANIME = 100000
N_FACTORS = 64
BATCH = 16384

def setup_inputs(seed: int = 0) -> dict:
    key = jax.random.key(seed)
    k1, k2, k3, k4 = jax.random.split(key, 4)
    user = jax.random.randint(k1, (BATCH,), 0, N_USERS, dtype=jnp.int64 if jax.config.read('jax_enable_x64') else jnp.int32)
    anime = jax.random.randint(k2, (BATCH,), 0, N_ANIME, dtype=jnp.int64 if jax.config.read('jax_enable_x64') else jnp.int32)
    user_factors = jax.random.normal(k3, (N_USERS, N_FACTORS), dtype=jnp.float32)
    anime_factors = jax.random.normal(k4, (N_ANIME, N_FACTORS), dtype=jnp.float32)
    return {"user": user, "anime": anime, "user_factors": user_factors, "anime_factors": anime_factors}

def reference(user, anime, user_factors, anime_factors):
    u = jnp.take(user_factors, user, axis=0)
    a = jnp.take(anime_factors, anime, axis=0)
    return (u * a).sum(1)

if __name__ == "__main__":
    import jax
    _d = setup_inputs()
    print(jax.jit(kernel)(*tuple(_d.values())))

</pallas_src>

<mosaic_0001>
#map = affine_map<(d0, d1) -> (0)>
#map1 = affine_map<(d0, d1) -> (0, 0)>
module attributes {stable_mosaic.version = 14 : i64} {
  func.func @_gather_body(%arg0: i32, %arg1: i32, %arg2: memref<16384xi32, #tpu.memory_space<hbm>>, %arg3: memref<16384xi32, #tpu.memory_space<hbm>>, %arg4: memref<1000000x64xf32, #tpu.memory_space<hbm>>, %arg5: memref<100000x64xf32, #tpu.memory_space<hbm>>, %arg6: memref<16384x64xf32, #tpu.memory_space<hbm>>, %arg7: memref<16384x64xf32, #tpu.memory_space<hbm>>, %arg8: memref<4x128xi32, #tpu.memory_space<vmem>>, %arg9: memref<4x128xi32, #tpu.memory_space<vmem>>, %arg10: memref<2x128x64xf32, #tpu.memory_space<vmem>>, %arg11: memref<2x128x64xf32, #tpu.memory_space<vmem>>, %arg12: memref<2x2x!tpu.dma_semaphore, #tpu.memory_space<semaphore_mem>>) attributes {dimension_semantics = [#tpu.dimension_semantics<core_parallel>, #tpu.dimension_semantics<subcore_parallel>], iteration_bounds = array<i64: 2, 16>, scalar_prefetch = 0 : i64, scratch_operands = 5 : i64, tpu.core_type = #tpu.core_type<sc_vector_subcore>, window_params = [{transform_indices = #map}, {transform_indices = #map}, {transform_indices = #map1}, {transform_indices = #map1}, {transform_indices = #map1}, {transform_indices = #map1}]} {
    %mul3A = arith.constant 2 : i32
    %mul3A_0 = arith.muli %arg1, %mul3A : i32
    %add3A = arith.addi %mul3A_0, %arg0 : i32
    %mul3A_1 = arith.constant 512 : i32
    %mul3A_2 = arith.muli %add3A, %mul3A_1 : i32
    %multiple_of3A = tpu.assume_multiple %mul3A_2, 512 : i32
    %add3A_3 = arith.constant 0 : i32
    %add3A_4 = arith.addi %multiple_of3A, %add3A_3 : i32
    %run_scoped3A = arith.constant 0 : i32
    "tpu.region"() ({
      %run_scoped3A_296 = tpu.sem_alloc : memref<!tpu.dma_semaphore, #tpu.memory_space<semaphore_mem>>
      %dma_start3A_297 = arith.constant 0 : i32
      %dma_start3A_298 = tpu.memref_slice %arg8[%run_scoped3A, %dma_start3A_297] : memref<4x128xi32, #tpu.memory_space<vmem>> -> memref<1x128xi32, #tpu.memory_space<vmem>>
      %dma_start3A_299 = tpu.memref_squeeze %dma_start3A_298 : memref<1x128xi32, #tpu.memory_space<vmem>> -> memref<128xi32, #tpu.memory_space<vmem>>
      %dma_start3A_300 = tpu.memref_slice %arg2[%add3A_4] : memref<16384xi32, #tpu.memory_space<hbm>> -> memref<128xi32, #tpu.memory_space<hbm>>
      %dma_start3A_301 = arith.constant 0 : i32
      %dma_start3A_302 = tpu.memref_slice %arg8[%run_scoped3A, %dma_start3A_301] : memref<4x128xi32, #tpu.memory_space<vmem>> -> memref<1x128xi32, #tpu.memory_space<vmem>>
      %dma_start3A_303 = tpu.memref_squeeze %dma_start3A_302 : memref<1x128xi32, #tpu.memory_space<vmem>> -> memref<128xi32, #tpu.memory_space<vmem>>
      %dma_start3A_304 = tpu.memref_slice %arg2[%add3A_4] : memref<16384xi32, #tpu.memory_space<hbm>> -> memref<128xi32, #tpu.memory_space<hbm>>
      tpu.enqueue_dma source(%dma_start3A_304 : memref<128xi32, #tpu.memory_space<hbm>>) target(%dma_start3A_303 : memref<128xi32, #tpu.memory_space<vmem>>) target_semaphore(%run_scoped3A_296 : memref<!tpu.dma_semaphore, #tpu.memory_space<semaphore_mem>>)
      %dma_wait3A_305 = arith.constant 0 : i32
      %dma_wait3A_306 = tpu.memref_slice %arg8[%run_scoped3A, %dma_wait3A_305] : memref<4x128xi32, #tpu.memory_space<vmem>> -> memref<1x128xi32, #tpu.memory_space<vmem>>
      %dma_wait3A_307 = tpu.memref_squeeze %dma_wait3A_306 : memref<1x128xi32, #tpu.memory_space<vmem>> -> memref<128xi32, #tpu.memory_space<vmem>>
      %dma_wait3A_308 = tpu.memref_slice %arg2[%add3A_4] : memref<16384xi32, #tpu.memory_space<hbm>> -> memref<128xi32, #tpu.memory_space<hbm>>
      %dma_wait3A_309 = arith.constant 0 : i32
      %dma_wait3A_310 = tpu.memref_slice %arg8[%run_scoped3A, %dma_wait3A_309] : memref<4x128xi32, #tpu.memory_space<vmem>> -> memref<1x128xi32, #tpu.memory_space<vmem>>
      %dma_wait3A_311 = tpu.memref_squeeze %dma_wait3A_310 : memref<1x128xi32, #tpu.memory_space<vmem>> -> memref<128xi32, #tpu.memory_space<vmem>>
      %dma_wait3A_312 = tpu.memref_slice %arg2[%add3A_4] : memref<16384xi32, #tpu.memory_space<hbm>> -> memref<128xi32, #tpu.memory_space<hbm>>
      tpu.wait_dma2 semaphore(%run_scoped3A_296 : memref<!tpu.dma_semaphore, #tpu.memory_space<semaphore_mem>>) src(%dma_wait3A_312 : memref<128xi32, #tpu.memory_space<hbm>>) dst(%dma_wait3A_311 : memref<128xi32, #tpu.memory_space<vmem>>)
      tpu.yield
    }) : () -> ()
    %add3A_5 = arith.constant 0 : i32
    %add3A_6 = arith.addi %multiple_of3A, %add3A_5 : i32
    %run_scoped3A_7 = arith.constant 0 : i32
    "tpu.region"() ({
      %run_scoped3A_296 = tpu.sem_alloc : memref<!tpu.dma_semaphore, #tpu.memory_space<semaphore_mem>>
      %dma_start3A_297 = arith.constant 0 : i32
      %dma_start3A_298 = tpu.memref_slice %arg9[%run_scoped3A_7, %dma_start3A_297] : memref<4x128xi32, #tpu.memory_space<vmem>> -> memref<1x128xi32, #tpu.memory_space<vmem>>
      %dma_start3A_299 = tpu.memref_squeeze %dma_start3A_298 : memref<1x128xi32, #tpu.memory_space<vmem>> -> memref<128xi32, #tpu.memory_space<vmem>>
      %dma_start3A_300 = tpu.memref_slice %arg3[%add3A_6] : memref<16384xi32, #tpu.memory_space<hbm>> -> memref<128xi32, #tpu.memory_space<hbm>>
      %dma_start3A_301 = arith.constant 0 : i32
      %dma_start3A_302 = tpu.memref_slice %arg9[%run_scoped3A_7, %dma_start3A_301] : memref<4x128xi32, #tpu.memory_space<vmem>> -> memref<1x128xi32, #tpu.memory_space<vmem>>
      %dma_start3A_303 = tpu.memref_squeeze %dma_start3A_302 : memref<1x128xi32, #tpu.memory_space<vmem>> -> memref<128xi32, #tpu.memory_space<vmem>>
      %dma_start3A_304 = tpu.memref_slice %arg3[%add3A_6] : memref<16384xi32, #tpu.memory_space<hbm>> -> memref<128xi32, #tpu.memory_space<hbm>>
      tpu.enqueue_dma source(%dma_start3A_304 : memref<128xi32, #tpu.memory_space<hbm>>) target(%dma_start3A_303 : memref<128xi32, #tpu.memory_space<vmem>>) target_semaphore(%run_scoped3A_296 : memref<!tpu.dma_semaphore, #tpu.memory_space<semaphore_mem>>)
      %dma_wait3A_305 = arith.constant 0 : i32
      %dma_wait3A_306 = tpu.memref_slice %arg9[%run_scoped3A_7, %dma_wait3A_305] : memref<4x128xi32, #tpu.memory_space<vmem>> -> memref<1x128xi32, #tpu.memory_space<vmem>>
      %dma_wait3A_307 = tpu.memref_squeeze %dma_wait3A_306 : memref<1x128xi32, #tpu.memory_space<vmem>> -> memref<128xi32, #tpu.memory_space<vmem>>
      %dma_wait3A_308 = tpu.memref_slice %arg3[%add3A_6] : memref<16384xi32, #tpu.memory_space<hbm>> -> memref<128xi32, #tpu.memory_space<hbm>>
      %dma_wait3A_309 = arith.constant 0 : i32
      %dma_wait3A_310 = tpu.memref_slice %arg9[%run_scoped3A_7, %dma_wait3A_309] : memref<4x128xi32, #tpu.memory_space<vmem>> -> memref<1x128xi32, #tpu.memory_space<vmem>>
      %dma_wait3A_311 = tpu.memref_squeeze %dma_wait3A_310 : memref<1x128xi32, #tpu.memory_space<vmem>> -> memref<128xi32, #tpu.memory_space<vmem>>
      %dma_wait3A_312 = tpu.memref_slice %arg3[%add3A_6] : memref<16384xi32, #tpu.memory_space<hbm>> -> memref<128xi32, #tpu.memory_space<hbm>>
      tpu.wait_dma2 semaphore(%run_scoped3A_296 : memref<!tpu.dma_semaphore, #tpu.memory_space<semaphore_mem>>) src(%dma_wait3A_312 : memref<128xi32, #tpu.memory_space<hbm>>) dst(%dma_wait3A_311 : memref<128xi32, #tpu.memory_space<vmem>>)
      tpu.yield
    }) : () -> ()
    %add3A_8 = arith.constant 128 : i32
    %add3A_9 = arith.addi %multiple_of3A, %add3A_8 : i32
    %run_scoped3A_10 = arith.constant 1 : i32
    "tpu.region"() ({
      %run_scoped3A_296 = tpu.sem_alloc : memref<!tpu.dma_semaphore, #tpu.memory_space<semaphore_mem>>
      %dma_start3A_297 = arith.constant 0 : i32
      %dma_start3A_298 = tpu.memref_slice %arg8[%run_scoped3A_10, %dma_start3A_297] : memref<4x128xi32, #tpu.memory_space<vmem>> -> memref<1x128xi32, #tpu.memory_space<vmem>>
      %dma_start3A_299 = tpu.memref_squeeze %dma_start3A_298 : memref<1x128xi32, #tpu.memory_space<vmem>> -> memref<128xi32, #tpu.memory_space<vmem>>
      %dma_start3A_300 = tpu.memref_slice %arg2[%add3A_9] : memref<16384xi32, #tpu.memory_space<hbm>> -> memref<128xi32, #tpu.memory_space<hbm>>
      %dma_start3A_301 = arith.constant 0 : i32
      %dma_start3A_302 = tpu.memref_slice %arg8[%run_scoped3A_10, %dma_start3A_301] : memref<4x128xi32, #tpu.memory_space<vmem>> -> memref<1x128xi32, #tpu.memory_space<vmem>>
      %dma_start3A_303 = tpu.memref_squeeze %dma_start3A_302 : memref<1x128xi32, #tpu.memory_space<vmem>> -> memref<128xi32, #tpu.memory_space<vmem>>
      %dma_start3A_304 = tpu.memref_slice %arg2[%add3A_9] : memref<16384xi32, #tpu.memory_space<hbm>> -> memref<128xi32, #tpu.memory_space<hbm>>
      tpu.enqueue_dma source(%dma_start3A_304 : memref<128xi32, #tpu.memory_space<hbm>>) target(%dma_start3A_303 : memref<128xi32, #tpu.memory_space<vmem>>) target_semaphore(%run_scoped3A_296 : memref<!tpu.dma_semaphore, #tpu.memory_space<semaphore_mem>>)
      %dma_wait3A_305 = arith.constant 0 : i32
      %dma_wait3A_306 = tpu.memref_slice %arg8[%run_scoped3A_10, %dma_wait3A_305] : memref<4x128xi32, #tpu.memory_space<vmem>> -> memref<1x128xi32, #tpu.memory_space<vmem>>
      %dma_wait3A_307 = tpu.memref_squeeze %dma_wait3A_306 : memref<1x128xi32, #tpu.memory_space<vmem>> -> memref<128xi32, #tpu.memory_space<vmem>>
      %dma_wait3A_308 = tpu.memref_slice %arg2[%add3A_9] : memref<16384xi32, #tpu.memory_space<hbm>> -> memref<128xi32, #tpu.memory_space<hbm>>
      %dma_wait3A_309 = arith.constant 0 : i32
      %dma_wait3A_310 = tpu.memref_slice %arg8[%run_scoped3A_10, %dma_wait3A_309] : memref<4x128xi32, #tpu.memory_space<vmem>> -> memref<1x128xi32, #tpu.memory_space<vmem>>
      %dma_wait3A_311 = tpu.memref_squeeze %dma_wait3A_310 : memref<1x128xi32, #tpu.memory_space<vmem>> -> memref<128xi32, #tpu.memory_space<vmem>>
      %dma_wait3A_312 = tpu.memref_slice %arg2[%add3A_9] : memref<16384xi32, #tpu.memory_space<hbm>> -> memref<128xi32, #tpu.memory_space<hbm>>
      tpu.wait_dma2 semaphore(%run_scoped3A_296 : memref<!tpu.dma_semaphore, #tpu.memory_space<semaphore_mem>>) src(%dma_wait3A_312 : memref<128xi32, #tpu.memory_space<hbm>>) dst(%dma_wait3A_311 : memref<128xi32, #tpu.memory_space<vmem>>)
      tpu.yield
    }) : () -> ()
    %add3A_11 = arith.constant 128 : i32
    %add3A_12 = arith.addi %multiple_of3A, %add3A_11 : i32
    %run_scoped3A_13 = arith.constant 1 : i32
    "tpu.region"() ({
      %run_scoped3A_296 = tpu.sem_alloc : memref<!tpu.dma_semaphore, #tpu.memory_space<semaphore_mem>>
      %dma_start3A_297 = arith.constant 0 : i32
      %dma_start3A_298 = tpu.memref_slice %arg9[%run_scoped3A_13, %dma_start3A_297] : memref<4x128xi32, #tpu.memory_space<vmem>> -> memref<1x128xi32, #tpu.memory_space<vmem>>
      %dma_start3A_299 = tpu.memref_squeeze %dma_start3A_298 : memref<1x128xi32, #tpu.memory_space<vmem>> -> memref<128xi32, #tpu.memory_space<vmem>>
      %dma_start3A_300 = tpu.memref_slice %arg3[%add3A_12] : memref<16384xi32, #tpu.memory_space<hbm>> -> memref<128xi32, #tpu.memory_space<hbm>>
      %dma_start3A_301 = arith.constant 0 : i32
      %dma_start3A_302 = tpu.memref_slice %arg9[%run_scoped3A_13, %dma_start3A_301] : memref<4x128xi32, #tpu.memory_space<vmem>> -> memref<1x128xi32, #tpu.memory_space<vmem>>
      %dma_start3A_303 = tpu.memref_squeeze %dma_start3A_302 : memref<1x128xi32, #tpu.memory_space<vmem>> -> memref<128xi32, #tpu.memory_space<vmem>>
      %dma_start3A_304 = tpu.memref_slice %arg3[%add3A_12] : memref<16384xi32, #tpu.memory_space<hbm>> -> memref<128xi32, #tpu.memory_space<hbm>>
      tpu.enqueue_dma source(%dma_start3A_304 : memref<128xi32, #tpu.memory_space<hbm>>) target(%dma_start3A_303 : memref<128xi32, #tpu.memory_space<vmem>>) target_semaphore(%run_scoped3A_296 : memref<!tpu.dma_semaphore, #tpu.memory_space<semaphore_mem>>)
      %dma_wait3A_305 = arith.constant 0 : i32
      %dma_wait3A_306 = tpu.memref_slice %arg9[%run_scoped3A_13, %dma_wait3A_305] : memref<4x128xi32, #tpu.memory_space<vmem>> -> memref<1x128xi32, #tpu.memory_space<vmem>>
      %dma_wait3A_307 = tpu.memref_squeeze %dma_wait3A_306 : memref<1x128xi32, #tpu.memory_space<vmem>> -> memref<128xi32, #tpu.memory_space<vmem>>
      %dma_wait3A_308 = tpu.memref_slice %arg3[%add3A_12] : memref<16384xi32, #tpu.memory_space<hbm>> -> memref<128xi32, #tpu.memory_space<hbm>>
      %dma_wait3A_309 = arith.constant 0 : i32
      %dma_wait3A_310 = tpu.memref_slice %arg9[%run_scoped3A_13, %dma_wait3A_309] : memref<4x128xi32, #tpu.memory_space<vmem>> -> memref<1x128xi32, #tpu.memory_space<vmem>>
      %dma_wait3A_311 = tpu.memref_squeeze %dma_wait3A_310 : memref<1x128xi32, #tpu.memory_space<vmem>> -> memref<128xi32, #tpu.memory_space<vmem>>
      %dma_wait3A_312 = tpu.memref_slice %arg3[%add3A_12] : memref<16384xi32, #tpu.memory_space<hbm>> -> memref<128xi32, #tpu.memory_space<hbm>>
      tpu.wait_dma2 semaphore(%run_scoped3A_296 : memref<!tpu.dma_semaphore, #tpu.memory_space<semaphore_mem>>) src(%dma_wait3A_312 : memref<128xi32, #tpu.memory_space<hbm>>) dst(%dma_wait3A_311 : memref<128xi32, #tpu.memory_space<vmem>>)
      tpu.yield
    }) : () -> ()
    %add3A_14 = arith.constant 256 : i32
    %add3A_15 = arith.addi %multiple_of3A, %add3A_14 : i32
    %run_scoped3A_16 = arith.constant 2 : i32
    "tpu.region"() ({
      %run_scoped3A_296 = tpu.sem_alloc : memref<!tpu.dma_semaphore, #tpu.memory_space<semaphore_mem>>
      %dma_start3A_297 = arith.constant 0 : i32
      %dma_start3A_298 = tpu.memref_slice %arg8[%run_scoped3A_16, %dma_start3A_297] : memref<4x128xi32, #tpu.memory_space<vmem>> -> memref<1x128xi32, #tpu.memory_space<vmem>>
      %dma_start3A_299 = tpu.memref_squeeze %dma_start3A_298 : memref<1x128xi32, #tpu.memory_space<vmem>> -> memref<128xi32, #tpu.memory_space<vmem>>
      %dma_start3A_300 = tpu.memref_slice %arg2[%add3A_15] : memref<16384xi32, #tpu.memory_space<hbm>> -> memref<128xi32, #tpu.memory_space<hbm>>
      %dma_start3A_301 = arith.constant 0 : i32
      %dma_start3A_302 = tpu.memref_slice %arg8[%run_scoped3A_16, %dma_start3A_301] : memref<4x128xi32, #tpu.memory_space<vmem>> -> memref<1x128xi32, #tpu.memory_space<vmem>>
      %dma_start3A_303 = tpu.memref_squeeze %dma_start3A_302 : memref<1x128xi32, #tpu.memory_space<vmem>> -> memref<128xi32, #tpu.memory_space<vmem>>
      %dma_start3A_304 = tpu.memref_slice %arg2[%add3A_15] : memref<16384xi32, #tpu.memory_space<hbm>> -> memref<128xi32, #tpu.memory_space<hbm>>
      tpu.enqueue_dma source(%dma_start3A_304 : memref<128xi32, #tpu.memory_space<hbm>>) target(%dma_start3A_303 : memref<128xi32, #tpu.memory_space<vmem>>) target_semaphore(%run_scoped3A_296 : memref<!tpu.dma_semaphore, #tpu.memory_space<semaphore_mem>>)
      %dma_wait3A_305 = arith.constant 0 : i32
      %dma_wait3A_306 = tpu.memref_slice %arg8[%run_scoped3A_16, %dma_wait3A_305] : memref<4x128xi32, #tpu.memory_space<vmem>> -> memref<1x128xi32, #tpu.memory_space<vmem>>
      %dma_wait3A_307 = tpu.memref_squeeze %dma_wait3A_306 : memref<1x128xi32, #tpu.memory_space<vmem>> -> memref<128xi32, #tpu.memory_space<vmem>>
      %dma_wait3A_308 = tpu.memref_slice %arg2[%add3A_15] : memref<16384xi32, #tpu.memory_space<hbm>> -> memref<128xi32, #tpu.memory_space<hbm>>
      %dma_wait3A_309 = arith.constant 0 : i32
      %dma_wait3A_310 = tpu.memref_slice %arg8[%run_scoped3A_16, %dma_wait3A_309] : memref<4x128xi32, #tpu.memory_space<vmem>> -> memref<1x128xi32, #tpu.memory_space<vmem>>
      %dma_wait3A_311 = tpu.memref_squeeze %dma_wait3A_310 : memref<1x128xi32, #tpu.memory_space<vmem>> -> memref<128xi32, #tpu.memory_space<vmem>>
      %dma_wait3A_312 = tpu.memref_slice %arg2[%add3A_15] : memref<16384xi32, #tpu.memory_space<hbm>> -> memref<128xi32, #tpu.memory_space<hbm>>
      tpu.wait_dma2 semaphore(%run_scoped3A_296 : memref<!tpu.dma_semaphore, #tpu.memory_space<semaphore_mem>>) src(%dma_wait3A_312 : memref<128xi32, #tpu.memory_space<hbm>>) dst(%dma_wait3A_311 : memref<128xi32, #tpu.memory_space<vmem>>)
      tpu.yield
    }) : () -> ()
    %add3A_17 = arith.constant 256 : i32
    %add3A_18 = arith.addi %multiple_of3A, %add3A_17 : i32
    %run_scoped3A_19 = arith.constant 2 : i32
    "tpu.region"() ({
      %run_scoped3A_296 = tpu.sem_alloc : memref<!tpu.dma_semaphore, #tpu.memory_space<semaphore_mem>>
      %dma_start3A_297 = arith.constant 0 : i32
      %dma_start3A_298 = tpu.memref_slice %arg9[%run_scoped3A_19, %dma_start3A_297] : memref<4x128xi32, #tpu.memory_space<vmem>> -> memref<1x128xi32, #tpu.memory_space<vmem>>
      %dma_start3A_299 = tpu.memref_squeeze %dma_start3A_298 : memref<1x128xi32, #tpu.memory_space<vmem>> -> memref<128xi32, #tpu.memory_space<vmem>>
      %dma_start3A_300 = tpu.memref_slice %arg3[%add3A_18] : memref<16384xi32, #tpu.memory_space<hbm>> -> memref<128xi32, #tpu.memory_space<hbm>>
      %dma_start3A_301 = arith.constant 0 : i32
      %dma_start3A_302 = tpu.memref_slice %arg9[%run_scoped3A_19, %dma_start3A_301] : memref<4x128xi32, #tpu.memory_space<vmem>> -> memref<1x128xi32, #tpu.memory_space<vmem>>
      %dma_start3A_303 = tpu.memref_squeeze %dma_start3A_302 : memref<1x128xi32, #tpu.memory_space<vmem>> -> memref<128xi32, #tpu.memory_space<vmem>>
      %dma_start3A_304 = tpu.memref_slice %arg3[%add3A_18] : memref<16384xi32, #tpu.memory_space<hbm>> -> memref<128xi32, #tpu.memory_space<hbm>>
      tpu.enqueue_dma source(%dma_start3A_304 : memref<128xi32, #tpu.memory_space<hbm>>) target(%dma_start3A_303 : memref<128xi32, #tpu.memory_space<vmem>>) target_semaphore(%run_scoped3A_296 : memref<!tpu.dma_semaphore, #tpu.memory_space<semaphore_mem>>)
      %dma_wait3A_305 = arith.constant 0 : i32
      %dma_wait3A_306 = tpu.memref_slice %arg9[%run_scoped3A_19, %dma_wait3A_305] : memref<4x128xi32, #tpu.memory_space<vmem>> -> memref<1x128xi32, #tpu.memory_space<vmem>>
      %dma_wait3A_307 = tpu.memref_squeeze %dma_wait3A_306 : memref<1x128xi32, #tpu.memory_space<vmem>> -> memref<128xi32, #tpu.memory_space<vmem>>
      %dma_wait3A_308 = tpu.memref_slice %arg3[%add3A_18] : memref<16384xi32, #tpu.memory_space<hbm>> -> memref<128xi32, #tpu.memory_space<hbm>>
      %dma_wait3A_309 = arith.constant 0 : i32
      %dma_wait3A_310 = tpu.memref_slice %arg9[%run_scoped3A_19, %dma_wait3A_309] : memref<4x128xi32, #tpu.memory_space<vmem>> -> memref<1x128xi32, #tpu.memory_space<vmem>>
      %dma_wait3A_311 = tpu.memref_squeeze %dma_wait3A_310 : memref<1x128xi32, #tpu.memory_space<vmem>> -> memref<128xi32, #tpu.memory_space<vmem>>
      %dma_wait3A_312 = tpu.memref_slice %arg3[%add3A_18] : memref<16384xi32, #tpu.memory_space<hbm>> -> memref<128xi32, #tpu.memory_space<hbm>>
      tpu.wait_dma2 semaphore(%run_scoped3A_296 : memref<!tpu.dma_semaphore, #tpu.memory_space<semaphore_mem>>) src(%dma_wait3A_312 : memref<128xi32, #tpu.memory_space<hbm>>) dst(%dma_wait3A_311 : memref<128xi32, #tpu.memory_space<vmem>>)
      tpu.yield
    }) : () -> ()
    %add3A_20 = arith.constant 384 : i32
    %add3A_21 = arith.addi %multiple_of3A, %add3A_20 : i32
    %run_scoped3A_22 = arith.constant 3 : i32
    "tpu.region"() ({
      %run_scoped3A_296 = tpu.sem_alloc : memref<!tpu.dma_semaphore, #tpu.memory_space<semaphore_mem>>
      %dma_start3A_297 = arith.constant 0 : i32
      %dma_start3A_298 = tpu.memref_slice %arg8[%run_scoped3A_22, %dma_start3A_297] : memref<4x128xi32, #tpu.memory_space<vmem>> -> memref<1x128xi32, #tpu.memory_space<vmem>>
      %dma_start3A_299 = tpu.memref_squeeze %dma_start3A_298 : memref<1x128xi32, #tpu.memory_space<vmem>> -> memref<128xi32, #tpu.memory_space<vmem>>
      %dma_start3A_300 = tpu.memref_slice %arg2[%add3A_21] : memref<16384xi32, #tpu.memory_space<hbm>> -> memref<128xi32, #tpu.memory_space<hbm>>
      %dma_start3A_301 = arith.constant 0 : i32
      %dma_start3A_302 = tpu.memref_slice %arg8[%run_scoped3A_22, %dma_start3A_301] : memref<4x128xi32, #tpu.memory_space<vmem>> -> memref<1x128xi32, #tpu.memory_space<vmem>>
      %dma_start3A_303 = tpu.memref_squeeze %dma_start3A_302 : memref<1x128xi32, #tpu.memory_space<vmem>> -> memref<128xi32, #tpu.memory_space<vmem>>
      %dma_start3A_304 = tpu.memref_slice %arg2[%add3A_21] : memref<16384xi32, #tpu.memory_space<hbm>> -> memref<128xi32, #tpu.memory_space<hbm>>
      tpu.enqueue_dma source(%dma_start3A_304 : memref<128xi32, #tpu.memory_space<hbm>>) target(%dma_start3A_303 : memref<128xi32, #tpu.memory_space<vmem>>) target_semaphore(%run_scoped3A_296 : memref<!tpu.dma_semaphore, #tpu.memory_space<semaphore_mem>>)
      %dma_wait3A_305 = arith.constant 0 : i32
      %dma_wait3A_306 = tpu.memref_slice %arg8[%run_scoped3A_22, %dma_wait3A_305] : memref<4x128xi32, #tpu.memory_space<vmem>> -> memref<1x128xi32, #tpu.memory_space<vmem>>
      %dma_wait3A_307 = tpu.memref_squeeze %dma_wait3A_306 : memref<1x128xi32, #tpu.memory_space<vmem>> -> memref<128xi32, #tpu.memory_space<vmem>>
      %dma_wait3A_308 = tpu.memref_slice %arg2[%add3A_21] : memref<16384xi32, #tpu.memory_space<hbm>> -> memref<128xi32, #tpu.memory_space<hbm>>
      %dma_wait3A_309 = arith.constant 0 : i32
      %dma_wait3A_310 = tpu.memref_slice %arg8[%run_scoped3A_22, %dma_wait3A_309] : memref<4x128xi32, #tpu.memory_space<vmem>> -> memref<1x128xi32, #tpu.memory_space<vmem>>
      %dma_wait3A_311 = tpu.memref_squeeze %dma_wait3A_310 : memref<1x128xi32, #tpu.memory_space<vmem>> -> memref<128xi32, #tpu.memory_space<vmem>>
      %dma_wait3A_312 = tpu.memref_slice %arg2[%add3A_21] : memref<16384xi32, #tpu.memory_space<hbm>> -> memref<128xi32, #tpu.memory_space<hbm>>
      tpu.wait_dma2 semaphore(%run_scoped3A_296 : memref<!tpu.dma_semaphore, #tpu.memory_space<semaphore_mem>>) src(%dma_wait3A_312 : memref<128xi32, #tpu.memory_space<hbm>>) dst(%dma_wait3A_311 : memref<128xi32, #tpu.memory_space<vmem>>)
      tpu.yield
    }) : () -> ()
    %add3A_23 = arith.constant 384 : i32
    %add3A_24 = arith.addi %multiple_of3A, %add3A_23 : i32
    %run_scoped3A_25 = arith.constant 3 : i32
    "tpu.region"() ({
      %run_scoped3A_296 = tpu.sem_alloc : memref<!tpu.dma_semaphore, #tpu.memory_space<semaphore_mem>>
      %dma_start3A_297 = arith.constant 0 : i32
      %dma_start3A_298 = tpu.memref_slice %arg9[%run_scoped3A_25, %dma_start3A_297] : memref<4x128xi32, #tpu.memory_space<vmem>> -> memref<1x128xi32, #tpu.memory_space<vmem>>
      %dma_start3A_299 = tpu.memref_squeeze %dma_start3A_298 : memref<1x128xi32, #tpu.memory_space<vmem>> -> memref<128xi32, #tpu.memory_space<vmem>>
      %dma_start3A_300 = tpu.memref_slice %arg3[%add3A_24] : memref<16384xi32, #tpu.memory_space<hbm>> -> memref<128xi32, #tpu.memory_space<hbm>>
      %dma_start3A_301 = arith.constant 0 : i32
      %dma_start3A_302 = tpu.memref_slice %arg9[%run_scoped3A_25, %dma_start3A_301] : memref<4x128xi32, #tpu.memory_space<vmem>> -> memref<1x128xi32, #tpu.memory_space<vmem>>
      %dma_start3A_303 = tpu.memref_squeeze %dma_start3A_302 : memref<1x128xi32, #tpu.memory_space<vmem>> -> memref<128xi32, #tpu.memory_space<vmem>>
      %dma_start3A_304 = tpu.memref_slice %arg3[%add3A_24] : memref<16384xi32, #tpu.memory_space<hbm>> -> memref<128xi32, #tpu.memory_space<hbm>>
      tpu.enqueue_dma source(%dma_start3A_304 : memref<128xi32, #tpu.memory_space<hbm>>) target(%dma_start3A_303 : memref<128xi32, #tpu.memory_space<vmem>>) target_semaphore(%run_scoped3A_296 : memref<!tpu.dma_semaphore, #tpu.memory_space<semaphore_mem>>)
      %dma_wait3A_305 = arith.constant 0 : i32
      %dma_wait3A_306 = tpu.memref_slice %arg9[%run_scoped3A_25, %dma_wait3A_305] : memref<4x128xi32, #tpu.memory_space<vmem>> -> memref<1x128xi32, #tpu.memory_space<vmem>>
      %dma_wait3A_307 = tpu.memref_squeeze %dma_wait3A_306 : memref<1x128xi32, #tpu.memory_space<vmem>> -> memref<128xi32, #tpu.memory_space<vmem>>
      %dma_wait3A_308 = tpu.memref_slice %arg3[%add3A_24] : memref<16384xi32, #tpu.memory_space<hbm>> -> memref<128xi32, #tpu.memory_space<hbm>>
      %dma_wait3A_309 = arith.constant 0 : i32
      %dma_wait3A_310 = tpu.memref_slice %arg9[%run_scoped3A_25, %dma_wait3A_309] : memref<4x128xi32, #tpu.memory_space<vmem>> -> memref<1x128xi32, #tpu.memory_space<vmem>>
      %dma_wait3A_311 = tpu.memref_squeeze %dma_wait3A_310 : memref<1x128xi32, #tpu.memory_space<vmem>> -> memref<128xi32, #tpu.memory_space<vmem>>
      %dma_wait3A_312 = tpu.memref_slice %arg3[%add3A_24] : memref<16384xi32, #tpu.memory_space<hbm>> -> memref<128xi32, #tpu.memory_space<hbm>>
      tpu.wait_dma2 semaphore(%run_scoped3A_296 : memref<!tpu.dma_semaphore, #tpu.memory_space<semaphore_mem>>) src(%dma_wait3A_312 : memref<128xi32, #tpu.memory_space<hbm>>) dst(%dma_wait3A_311 : memref<128xi32, #tpu.memory_space<vmem>>)
      tpu.yield
    }) : () -> ()
    %dma_start3A = arith.constant 0 : i32
    %dma_start3A_26 = arith.constant 0 : i32
    %dma_start3A_27 = arith.constant 0 : i32
    %dma_start3A_28 = arith.constant 0 : i32
    %dma_start3A_29 = arith.constant 0 : i32
    %dma_start3A_30 = arith.constant 0 : i32
    %dma_start3A_31 = tpu.memref_slice %arg10[%dma_start3A_26, %dma_start3A_29, %dma_start3A_30] : memref<2x128x64xf32, #tpu.memory_space<vmem>> -> memref<1x128x64xf32, #tpu.memory_space<vmem>>
    %dma_start3A_32 = tpu.memref_squeeze %dma_start3A_31 : memref<1x128x64xf32, #tpu.memory_space<vmem>> -> memref<128x64xf32, #tpu.memory_space<vmem>>
    %dma_start3A_33 = arith.constant 0 : i32
    %dma_start3A_34 = tpu.memref_slice %arg8[%dma_start3A, %dma_start3A_33] : memref<4x128xi32, #tpu.memory_space<vmem>> -> memref<1x128xi32, #tpu.memory_space<vmem>>
    %dma_start3A_35 = tpu.memref_squeeze %dma_start3A_34 : memref<1x128xi32, #tpu.memory_space<vmem>> -> memref<128xi32, #tpu.memory_space<vmem>>
    %dma_start3A_36 = arith.constant 0 : i32
    %dma_start3A_37 = arith.constant 0 : i32
    %dma_start3A_38 = tpu.memref_slice %arg4[%dma_start3A_36, %dma_start3A_37] : memref<1000000x64xf32, #tpu.memory_space<hbm>> -> memref<1000000x64xf32, #tpu.memory_space<hbm>>
    %dma_start3A_39 = tpu.memref_slice %arg12[%dma_start3A_27, %dma_start3A_28] : memref<2x2x!tpu.dma_semaphore, #tpu.memory_space<semaphore_mem>> -> memref<1x1x!tpu.dma_semaphore, #tpu.memory_space<semaphore_mem>>
    %dma_start3A_40 = tpu.memref_squeeze %dma_start3A_39 : memref<1x1x!tpu.dma_semaphore, #tpu.memory_space<semaphore_mem>> -> memref<!tpu.dma_semaphore, #tpu.memory_space<semaphore_mem>>
    tpu.enqueue_indirect_dma source(%dma_start3A_38 : memref<1000000x64xf32, #tpu.memory_space<hbm>>) target(%dma_start3A_32 : memref<128x64xf32, #tpu.memory_space<vmem>>) offsets(%dma_start3A_35 : memref<128xi32, #tpu.memory_space<vmem>>) semaphore(%dma_start3A_40 : memref<!tpu.dma_semaphore, #tpu.memory_space<semaphore_mem>>)
    %dma_start3A_41 = arith.constant 0 : i32
    %dma_start3A_42 = arith.constant 0 : i32
    %dma_start3A_43 = arith.constant 0 : i32
    %dma_start3A_44 = arith.constant 1 : i32
    %dma_start3A_45 = arith.constant 0 : i32
    %dma_start3A_46 = arith.constant 0 : i32
    %dma_start3A_47 = tpu.memref_slice %arg11[%dma_start3A_42, %dma_start3A_45, %dma_start3A_46] : memref<2x128x64xf32, #tpu.memory_space<vmem>> -> memref<1x128x64xf32, #tpu.memory_space<vmem>>
    %dma_start3A_48 = tpu.memref_squeeze %dma_start3A_47 : memref<1x128x64xf32, #tpu.memory_space<vmem>> -> memref<128x64xf32, #tpu.memory_space<vmem>>
    %dma_start3A_49 = arith.constant 0 : i32
    %dma_start3A_50 = tpu.memref_slice %arg9[%dma_start3A_41, %dma_start3A_49] : memref<4x128xi32, #tpu.memory_space<vmem>> -> memref<1x128xi32, #tpu.memory_space<vmem>>
    %dma_start3A_51 = tpu.memref_squeeze %dma_start3A_50 : memref<1x128xi32, #tpu.memory_space<vmem>> -> memref<128xi32, #tpu.memory_space<vmem>>
    %dma_start3A_52 = arith.constant 0 : i32
    %dma_start3A_53 = arith.constant 0 : i32
    %dma_start3A_54 = tpu.memref_slice %arg5[%dma_start3A_52, %dma_start3A_53] : memref<100000x64xf32, #tpu.memory_space<hbm>> -> memref<100000x64xf32, #tpu.memory_space<hbm>>
    %dma_start3A_55 = tpu.memref_slice %arg12[%dma_start3A_43, %dma_start3A_44] : memref<2x2x!tpu.dma_semaphore, #tpu.memory_space<semaphore_mem>> -> memref<1x1x!tpu.dma_semaphore, #tpu.memory_space<semaphore_mem>>
    %dma_start3A_56 = tpu.memref_squeeze %dma_start3A_55 : memref<1x1x!tpu.dma_semaphore, #tpu.memory_space<semaphore_mem>> -> memref<!tpu.dma_semaphore, #tpu.memory_space<semaphore_mem>>
    tpu.enqueue_indirect_dma source(%dma_start3A_54 : memref<100000x64xf32, #tpu.memory_space<hbm>>) target(%dma_start3A_48 : memref<128x64xf32, #tpu.memory_space<vmem>>) offsets(%dma_start3A_51 : memref<128xi32, #tpu.memory_space<vmem>>) semaphore(%dma_start3A_56 : memref<!tpu.dma_semaphore, #tpu.memory_space<semaphore_mem>>)
    %dma_start3A_57 = arith.constant 1 : i32
    %dma_start3A_58 = arith.constant 1 : i32
    %dma_start3A_59 = arith.constant 1 : i32
    %dma_start3A_60 = arith.constant 0 : i32
    %dma_start3A_61 = arith.constant 0 : i32
    %dma_start3A_62 = arith.constant 0 : i32
    %dma_start3A_63 = tpu.memref_slice %arg10[%dma_start3A_58, %dma_start3A_61, %dma_start3A_62] : memref<2x128x64xf32, #tpu.memory_space<vmem>> -> memref<1x128x64xf32, #tpu.memory_space<vmem>>
    %dma_start3A_64 = tpu.memref_squeeze %dma_start3A_63 : memref<1x128x64xf32, #tpu.memory_space<vmem>> -> memref<128x64xf32, #tpu.memory_space<vmem>>
    %dma_start3A_65 = arith.constant 0 : i32
    %dma_start3A_66 = tpu.memref_slice %arg8[%dma_start3A_57, %dma_start3A_65] : memref<4x128xi32, #tpu.memory_space<vmem>> -> memref<1x128xi32, #tpu.memory_space<vmem>>
    %dma_start3A_67 = tpu.memref_squeeze %dma_start3A_66 : memref<1x128xi32, #tpu.memory_space<vmem>> -> memref<128xi32, #tpu.memory_space<vmem>>
    %dma_start3A_68 = arith.constant 0 : i32
    %dma_start3A_69 = arith.constant 0 : i32
    %dma_start3A_70 = tpu.memref_slice %arg4[%dma_start3A_68, %dma_start3A_69] : memref<1000000x64xf32, #tpu.memory_space<hbm>> -> memref<1000000x64xf32, #tpu.memory_space<hbm>>
    %dma_start3A_71 = tpu.memref_slice %arg12[%dma_start3A_59, %dma_start3A_60] : memref<2x2x!tpu.dma_semaphore, #tpu.memory_space<semaphore_mem>> -> memref<1x1x!tpu.dma_semaphore, #tpu.memory_space<semaphore_mem>>
    %dma_start3A_72 = tpu.memref_squeeze %dma_start3A_71 : memref<1x1x!tpu.dma_semaphore, #tpu.memory_space<semaphore_mem>> -> memref<!tpu.dma_semaphore, #tpu.memory_space<semaphore_mem>>
    tpu.enqueue_indirect_dma source(%dma_start3A_70 : memref<1000000x64xf32, #tpu.memory_space<hbm>>) target(%dma_start3A_64 : memref<128x64xf32, #tpu.memory_space<vmem>>) offsets(%dma_start3A_67 : memref<128xi32, #tpu.memory_space<vmem>>) semaphore(%dma_start3A_72 : memref<!tpu.dma_semaphore, #tpu.memory_space<semaphore_mem>>)
    %dma_start3A_73 = arith.constant 1 : i32
    %dma_start3A_74 = arith.constant 1 : i32
    %dma_start3A_75 = arith.constant 1 : i32
    %dma_start3A_76 = arith.constant 1 : i32
    %dma_start3A_77 = arith.constant 0 : i32
    %dma_start3A_78 = arith.constant 0 : i32
    %dma_start3A_79 = tpu.memref_slice %arg11[%dma_start3A_74, %dma_start3A_77, %dma_start3A_78] : memref<2x128x64xf32, #tpu.memory_space<vmem>> -> memref<1x128x64xf32, #tpu.memory_space<vmem>>
    %dma_start3A_80 = tpu.memref_squeeze %dma_start3A_79 : memref<1x128x64xf32, #tpu.memory_space<vmem>> -> memref<128x64xf32, #tpu.memory_space<vmem>>
    %dma_start3A_81 = arith.constant 0 : i32
    %dma_start3A_82 = tpu.memref_slice %arg9[%dma_start3A_73, %dma_start3A_81] : memref<4x128xi32, #tpu.memory_space<vmem>> -> memref<1x128xi32, #tpu.memory_space<vmem>>
    %dma_start3A_83 = tpu.memref_squeeze %dma_start3A_82 : memref<1x128xi32, #tpu.memory_space<vmem>> -> memref<128xi32, #tpu.memory_space<vmem>>
    %dma_start3A_84 = arith.constant 0 : i32
    %dma_start3A_85 = arith.constant 0 : i32
    %dma_start3A_86 = tpu.memref_slice %arg5[%dma_start3A_84, %dma_start3A_85] : memref<100000x64xf32, #tpu.memory_space<hbm>> -> memref<100000x64xf32, #tpu.memory_space<hbm>>
    %dma_start3A_87 = tpu.memref_slice %arg12[%dma_start3A_75, %dma_start3A_76] : memref<2x2x!tpu.dma_semaphore, #tpu.memory_space<semaphore_mem>> -> memref<1x1x!tpu.dma_semaphore, #tpu.memory_space<semaphore_mem>>
    %dma_start3A_88 = tpu.memref_squeeze %dma_start3A_87 : memref<1x1x!tpu.dma_semaphore, #tpu.memory_space<semaphore_mem>> -> memref<!tpu.dma_semaphore, #tpu.memory_space<semaphore_mem>>
    tpu.enqueue_indirect_dma source(%dma_start3A_86 : memref<100000x64xf32, #tpu.memory_space<hbm>>) target(%dma_start3A_80 : memref<128x64xf32, #tpu.memory_space<vmem>>) offsets(%dma_start3A_83 : memref<128xi32, #tpu.memory_space<vmem>>) semaphore(%dma_start3A_88 : memref<!tpu.dma_semaphore, #tpu.memory_space<semaphore_mem>>)
    %dma_wait3A = arith.constant 0 : i32
    %dma_wait3A_89 = arith.constant 0 : i32
    %dma_wait3A_90 = arith.constant 0 : i32
    %dma_wait3A_91 = arith.constant 0 : i32
    %dma_wait3A_92 = arith.constant 0 : i32
    %dma_wait3A_93 = arith.constant 0 : i32
    %dma_wait3A_94 = tpu.memref_slice %arg10[%dma_wait3A_89, %dma_wait3A_92, %dma_wait3A_93] : memref<2x128x64xf32, #tpu.memory_space<vmem>> -> memref<1x128x64xf32, #tpu.memory_space<vmem>>
    %dma_wait3A_95 = tpu.memref_squeeze %dma_wait3A_94 : memref<1x128x64xf32, #tpu.memory_space<vmem>> -> memref<128x64xf32, #tpu.memory_space<vmem>>
    %dma_wait3A_96 = arith.constant 0 : i32
    %dma_wait3A_97 = tpu.memref_slice %arg8[%dma_wait3A, %dma_wait3A_96] : memref<4x128xi32, #tpu.memory_space<vmem>> -> memref<1x128xi32, #tpu.memory_space<vmem>>
    %dma_wait3A_98 = tpu.memref_squeeze %dma_wait3A_97 : memref<1x128xi32, #tpu.memory_space<vmem>> -> memref<128xi32, #tpu.memory_space<vmem>>
    %dma_wait3A_99 = arith.constant 0 : i32
    %dma_wait3A_100 = arith.constant 0 : i32
    %dma_wait3A_101 = tpu.memref_slice %arg4[%dma_wait3A_99, %dma_wait3A_100] : memref<1000000x64xf32, #tpu.memory_space<hbm>> -> memref<1000000x64xf32, #tpu.memory_space<hbm>>
    %dma_wait3A_102 = tpu.memref_slice %arg12[%dma_wait3A_90, %dma_wait3A_91] : memref<2x2x!tpu.dma_semaphore, #tpu.memory_space<semaphore_mem>> -> memref<1x1x!tpu.dma_semaphore, #tpu.memory_space<semaphore_mem>>
    %dma_wait3A_103 = tpu.memref_squeeze %dma_wait3A_102 : memref<1x1x!tpu.dma_semaphore, #tpu.memory_space<semaphore_mem>> -> memref<!tpu.dma_semaphore, #tpu.memory_space<semaphore_mem>>
    tpu.wait_indirect_dma semaphore(%dma_wait3A_103 : memref<!tpu.dma_semaphore, #tpu.memory_space<semaphore_mem>>) src(%dma_wait3A_101 : memref<1000000x64xf32, #tpu.memory_space<hbm>>) dst(%dma_wait3A_95 : memref<128x64xf32, #tpu.memory_space<vmem>>)
    %dma_wait3A_104 = arith.constant 0 : i32
    %dma_wait3A_105 = arith.constant 0 : i32
    %dma_wait3A_106 = arith.constant 0 : i32
    %dma_wait3A_107 = arith.constant 1 : i32
    %dma_wait3A_108 = arith.constant 0 : i32
    %dma_wait3A_109 = arith.constant 0 : i32
    %dma_wait3A_110 = tpu.memref_slice %arg11[%dma_wait3A_105, %dma_wait3A_108, %dma_wait3A_109] : memref<2x128x64xf32, #tpu.memory_space<vmem>> -> memref<1x128x64xf32, #tpu.memory_space<vmem>>
    %dma_wait3A_111 = tpu.memref_squeeze %dma_wait3A_110 : memref<1x128x64xf32, #tpu.memory_space<vmem>> -> memref<128x64xf32, #tpu.memory_space<vmem>>
    %dma_wait3A_112 = arith.constant 0 : i32
    %dma_wait3A_113 = tpu.memref_slice %arg9[%dma_wait3A_104, %dma_wait3A_112] : memref<4x128xi32, #tpu.memory_space<vmem>> -> memref<1x128xi32, #tpu.memory_space<vmem>>
    %dma_wait3A_114 = tpu.memref_squeeze %dma_wait3A_113 : memref<1x128xi32, #tpu.memory_space<vmem>> -> memref<128xi32, #tpu.memory_space<vmem>>
    %dma_wait3A_115 = arith.constant 0 : i32
    %dma_wait3A_116 = arith.constant 0 : i32
    %dma_wait3A_117 = tpu.memref_slice %arg5[%dma_wait3A_115, %dma_wait3A_116] : memref<100000x64xf32, #tpu.memory_space<hbm>> -> memref<100000x64xf32, #tpu.memory_space<hbm>>
    %dma_wait3A_118 = tpu.memref_slice %arg12[%dma_wait3A_106, %dma_wait3A_107] : memref<2x2x!tpu.dma_semaphore, #tpu.memory_space<semaphore_mem>> -> memref<1x1x!tpu.dma_semaphore, #tpu.memory_space<semaphore_mem>>
    %dma_wait3A_119 = tpu.memref_squeeze %dma_wait3A_118 : memref<1x1x!tpu.dma_semaphore, #tpu.memory_space<semaphore_mem>> -> memref<!tpu.dma_semaphore, #tpu.memory_space<semaphore_mem>>
    tpu.wait_indirect_dma semaphore(%dma_wait3A_119 : memref<!tpu.dma_semaphore, #tpu.memory_space<semaphore_mem>>) src(%dma_wait3A_117 : memref<100000x64xf32, #tpu.memory_space<hbm>>) dst(%dma_wait3A_111 : memref<128x64xf32, #tpu.memory_space<vmem>>)
    %add3A_120 = arith.constant 0 : i32
    %add3A_121 = arith.addi %multiple_of3A, %add3A_120 : i32
    %run_scoped3A_122 = arith.constant 0 : i32
    "tpu.region"() ({
      %run_scoped3A_296 = tpu.sem_alloc : memref<!tpu.dma_semaphore, #tpu.memory_space<semaphore_mem>>
      %dma_start3A_297 = arith.constant 0 : i32
      %dma_start3A_298 = arith.constant 0 : i32
      %dma_start3A_299 = tpu.memref_slice %arg10[%run_scoped3A_122, %dma_start3A_297, %dma_start3A_298] : memref<2x128x64xf32, #tpu.memory_space<vmem>> -> memref<1x128x64xf32, #tpu.memory_space<vmem>>
      %dma_start3A_300 = tpu.memref_squeeze %dma_start3A_299 : memref<1x128x64xf32, #tpu.memory_space<vmem>> -> memref<128x64xf32, #tpu.memory_space<vmem>>
      %dma_start3A_301 = arith.constant 0 : i32
      %dma_start3A_302 = tpu.memref_slice %arg6[%add3A_121, %dma_start3A_301] : memref<16384x64xf32, #tpu.memory_space<hbm>> -> memref<128x64xf32, #tpu.memory_space<hbm>>
      %dma_start3A_303 = arith.constant 0 : i32
      %dma_start3A_304 = tpu.memref_slice %arg6[%add3A_121, %dma_start3A_303] : memref<16384x64xf32, #tpu.memory_space<hbm>> -> memref<128x64xf32, #tpu.memory_space<hbm>>
      %dma_start3A_305 = arith.constant 0 : i32
      %dma_start3A_306 = arith.constant 0 : i32
      %dma_start3A_307 = tpu.memref_slice %arg10[%run_scoped3A_122, %dma_start3A_305, %dma_start3A_306] : memref<2x128x64xf32, #tpu.memory_space<vmem>> -> memref<1x128x64xf32, #tpu.memory_space<vmem>>
      %dma_start3A_308 = tpu.memref_squeeze %dma_start3A_307 : memref<1x128x64xf32, #tpu.memory_space<vmem>> -> memref<128x64xf32, #tpu.memory_space<vmem>>
      tpu.enqueue_dma source(%dma_start3A_308 : memref<128x64xf32, #tpu.memory_space<vmem>>) target(%dma_start3A_304 : memref<128x64xf32, #tpu.memory_space<hbm>>) target_semaphore(%run_scoped3A_296 : memref<!tpu.dma_semaphore, #tpu.memory_space<semaphore_mem>>)
      %dma_wait3A_309 = arith.constant 0 : i32
      %dma_wait3A_310 = arith.constant 0 : i32
      %dma_wait3A_311 = tpu.memref_slice %arg10[%run_scoped3A_122, %dma_wait3A_309, %dma_wait3A_310] : memref<2x128x64xf32, #tpu.memory_space<vmem>> -> memref<1x128x64xf32, #tpu.memory_space<vmem>>
      %dma_wait3A_312 = tpu.memref_squeeze %dma_wait3A_311 : memref<1x128x64xf32, #tpu.memory_space<vmem>> -> memref<128x64xf32, #tpu.memory_space<vmem>>
      %dma_wait3A_313 = arith.constant 0 : i32
      %dma_wait3A_314 = tpu.memref_slice %arg6[%add3A_121, %dma_wait3A_313] : memref<16384x64xf32, #tpu.memory_space<hbm>> -> memref<128x64xf32, #tpu.memory_space<hbm>>
      %dma_wait3A_315 = arith.constant 0 : i32
      %dma_wait3A_316 = tpu.memref_slice %arg6[%add3A_121, %dma_wait3A_315] : memref<16384x64xf32, #tpu.memory_space<hbm>> -> memref<128x64xf32, #tpu.memory_space<hbm>>
      %dma_wait3A_317 = arith.constant 0 : i32
      %dma_wait3A_318 = arith.constant 0 : i32
      %dma_wait3A_319 = tpu.memref_slice %arg10[%run_scoped3A_122, %dma_wait3A_317, %dma_wait3A_318] : memref<2x128x64xf32, #tpu.memory_space<vmem>> -> memref<1x128x64xf32, #tpu.memory_space<vmem>>
      %dma_wait3A_320 = tpu.memref_squeeze %dma_wait3A_319 : memref<1x128x64xf32, #tpu.memory_space<vmem>> -> memref<128x64xf32, #tpu.memory_space<vmem>>
      tpu.wait_dma2 semaphore(%run_scoped3A_296 : memref<!tpu.dma_semaphore, #tpu.memory_space<semaphore_mem>>) src(%dma_wait3A_320 : memref<128x64xf32, #tpu.memory_space<vmem>>) dst(%dma_wait3A_316 : memref<128x64xf32, #tpu.memory_space<hbm>>)
      tpu.yield
    }) : () -> ()
    %run_scoped3A_123 = arith.constant 0 : i32
    "tpu.region"() ({
      %run_scoped3A_296 = tpu.sem_alloc : memref<!tpu.dma_semaphore, #tpu.memory_space<semaphore_mem>>
      %dma_start3A_297 = arith.constant 0 : i32
      %dma_start3A_298 = arith.constant 0 : i32
      %dma_start3A_299 = tpu.memref_slice %arg11[%run_scoped3A_123, %dma_start3A_297, %dma_start3A_298] : memref<2x128x64xf32, #tpu.memory_space<vmem>> -> memref<1x128x64xf32, #tpu.memory_space<vmem>>
      %dma_start3A_300 = tpu.memref_squeeze %dma_start3A_299 : memref<1x128x64xf32, #tpu.memory_space<vmem>> -> memref<128x64xf32, #tpu.memory_space<vmem>>
      %dma_start3A_301 = arith.constant 0 : i32
      %dma_start3A_302 = tpu.memref_slice %arg7[%add3A_121, %dma_start3A_301] : memref<16384x64xf32, #tpu.memory_space<hbm>> -> memref<128x64xf32, #tpu.memory_space<hbm>>
      %dma_start3A_303 = arith.constant 0 : i32
      %dma_start3A_304 = tpu.memref_slice %arg7[%add3A_121, %dma_start3A_303] : memref<16384x64xf32, #tpu.memory_space<hbm>> -> memref<128x64xf32, #tpu.memory_space<hbm>>
      %dma_start3A_305 = arith.constant 0 : i32
      %dma_start3A_306 = arith.constant 0 : i32
      %dma_start3A_307 = tpu.memref_slice %arg11[%run_scoped3A_123, %dma_start3A_305, %dma_start3A_306] : memref<2x128x64xf32, #tpu.memory_space<vmem>> -> memref<1x128x64xf32, #tpu.memory_space<vmem>>
      %dma_start3A_308 = tpu.memref_squeeze %dma_start3A_307 : memref<1x128x64xf32, #tpu.memory_space<vmem>> -> memref<128x64xf32, #tpu.memory_space<vmem>>
      tpu.enqueue_dma source(%dma_start3A_308 : memref<128x64xf32, #tpu.memory_space<vmem>>) target(%dma_start3A_304 : memref<128x64xf32, #tpu.memory_space<hbm>>) target_semaphore(%run_scoped3A_296 : memref<!tpu.dma_semaphore, #tpu.memory_space<semaphore_mem>>)
      %dma_wait3A_309 = arith.constant 0 : i32
      %dma_wait3A_310 = arith.constant 0 : i32
      %dma_wait3A_311 = tpu.memref_slice %arg11[%run_scoped3A_123, %dma_wait3A_309, %dma_wait3A_310] : memref<2x128x64xf32, #tpu.memory_space<vmem>> -> memref<1x128x64xf32, #tpu.memory_space<vmem>>
      %dma_wait3A_312 = tpu.memref_squeeze %dma_wait3A_311 : memref<1x128x64xf32, #tpu.memory_space<vmem>> -> memref<128x64xf32, #tpu.memory_space<vmem>>
      %dma_wait3A_313 = arith.constant 0 : i32
      %dma_wait3A_314 = tpu.memref_slice %arg7[%add3A_121, %dma_wait3A_313] : memref<16384x64xf32, #tpu.memory_space<hbm>> -> memref<128x64xf32, #tpu.memory_space<hbm>>
      %dma_wait3A_315 = arith.constant 0 : i32
      %dma_wait3A_316 = tpu.memref_slice %arg7[%add3A_121, %dma_wait3A_315] : memref<16384x64xf32, #tpu.memory_space<hbm>> -> memref<128x64xf32, #tpu.memory_space<hbm>>
      %dma_wait3A_317 = arith.constant 0 : i32
      %dma_wait3A_318 = arith.constant 0 : i32
      %dma_wait3A_319 = tpu.memref_slice %arg11[%run_scoped3A_123, %dma_wait3A_317, %dma_wait3A_318] : memref<2x128x64xf32, #tpu.memory_space<vmem>> -> memref<1x128x64xf32, #tpu.memory_space<vmem>>
      %dma_wait3A_320 = tpu.memref_squeeze %dma_wait3A_319 : memref<1x128x64xf32, #tpu.memory_space<vmem>> -> memref<128x64xf32, #tpu.memory_space<vmem>>
      tpu.wait_dma2 semaphore(%run_scoped3A_296 : memref<!tpu.dma_semaphore, #tpu.memory_space<semaphore_mem>>) src(%dma_wait3A_320 : memref<128x64xf32, #tpu.memory_space<vmem>>) dst(%dma_wait3A_316 : memref<128x64xf32, #tpu.memory_space<hbm>>)
      tpu.yield
    }) : () -> ()
    %dma_start3A_124 = arith.constant 2 : i32
    %dma_start3A_125 = arith.constant 0 : i32
    %dma_start3A_126 = arith.constant 0 : i32
    %dma_start3A_127 = arith.constant 0 : i32
    %dma_start3A_128 = arith.constant 0 : i32
    %dma_start3A_129 = arith.constant 0 : i32
    %dma_start3A_130 = tpu.memref_slice %arg10[%dma_start3A_125, %dma_start3A_128, %dma_start3A_129] : memref<2x128x64xf32, #tpu.memory_space<vmem>> -> memref<1x128x64xf32, #tpu.memory_space<vmem>>
    %dma_start3A_131 = tpu.memref_squeeze %dma_start3A_130 : memref<1x128x64xf32, #tpu.memory_space<vmem>> -> memref<128x64xf32, #tpu.memory_space<vmem>>
    %dma_start3A_132 = arith.constant 0 : i32
    %dma_start3A_133 = tpu.memref_slice %arg8[%dma_start3A_124, %dma_start3A_132] : memref<4x128xi32, #tpu.memory_space<vmem>> -> memref<1x128xi32, #tpu.memory_space<vmem>>
    %dma_start3A_134 = tpu.memref_squeeze %dma_start3A_133 : memref<1x128xi32, #tpu.memory_space<vmem>> -> memref<128xi32, #tpu.memory_space<vmem>>
    %dma_start3A_135 = arith.constant 0 : i32
    %dma_start3A_136 = arith.constant 0 : i32
    %dma_start3A_137 = tpu.memref_slice %arg4[%dma_start3A_135, %dma_start3A_136] : memref<1000000x64xf32, #tpu.memory_space<hbm>> -> memref<1000000x64xf32, #tpu.memory_space<hbm>>
    %dma_start3A_138 = tpu.memref_slice %arg12[%dma_start3A_126, %dma_start3A_127] : memref<2x2x!tpu.dma_semaphore, #tpu.memory_space<semaphore_mem>> -> memref<1x1x!tpu.dma_semaphore, #tpu.memory_space<semaphore_mem>>
    %dma_start3A_139 = tpu.memref_squeeze %dma_start3A_138 : memref<1x1x!tpu.dma_semaphore, #tpu.memory_space<semaphore_mem>> -> memref<!tpu.dma_semaphore, #tpu.memory_space<semaphore_mem>>
    tpu.enqueue_indirect_dma source(%dma_start3A_137 : memref<1000000x64xf32, #tpu.memory_space<hbm>>) target(%dma_start3A_131 : memref<128x64xf32, #tpu.memory_space<vmem>>) offsets(%dma_start3A_134 : memref<128xi32, #tpu.memory_space<vmem>>) semaphore(%dma_start3A_139 : memref<!tpu.dma_semaphore, #tpu.memory_space<semaphore_mem>>)
    %dma_start3A_140 = arith.constant 2 : i32
    %dma_start3A_141 = arith.constant 0 : i32
    %dma_start3A_142 = arith.constant 0 : i32
    %dma_start3A_143 = arith.constant 1 : i32
    %dma_start3A_144 = arith.constant 0 : i32
    %dma_start3A_145 = arith.constant 0 : i32
    %dma_start3A_146 = tpu.memref_slice %arg11[%dma_start3A_141, %dma_start3A_144, %dma_start3A_145] : memref<2x128x64xf32, #tpu.memory_space<vmem>> -> memref<1x128x64xf32, #tpu.memory_space<vmem>>
    %dma_start3A_147 = tpu.memref_squeeze %dma_start3A_146 : memref<1x128x64xf32, #tpu.memory_space<vmem>> -> memref<128x64xf32, #tpu.memory_space<vmem>>
    %dma_start3A_148 = arith.constant 0 : i32
    %dma_start3A_149 = tpu.memref_slice %arg9[%dma_start3A_140, %dma_start3A_148] : memref<4x128xi32, #tpu.memory_space<vmem>> -> memref<1x128xi32, #tpu.memory_space<vmem>>
    %dma_start3A_150 = tpu.memref_squeeze %dma_start3A_149 : memref<1x128xi32, #tpu.memory_space<vmem>> -> memref<128xi32, #tpu.memory_space<vmem>>
    %dma_start3A_151 = arith.constant 0 : i32
    %dma_start3A_152 = arith.constant 0 : i32
    %dma_start3A_153 = tpu.memref_slice %arg5[%dma_start3A_151, %dma_start3A_152] : memref<100000x64xf32, #tpu.memory_space<hbm>> -> memref<100000x64xf32, #tpu.memory_space<hbm>>
    %dma_start3A_154 = tpu.memref_slice %arg12[%dma_start3A_142, %dma_start3A_143] : memref<2x2x!tpu.dma_semaphore, #tpu.memory_space<semaphore_mem>> -> memref<1x1x!tpu.dma_semaphore, #tpu.memory_space<semaphore_mem>>
    %dma_start3A_155 = tpu.memref_squeeze %dma_start3A_154 : memref<1x1x!tpu.dma_semaphore, #tpu.memory_space<semaphore_mem>> -> memref<!tpu.dma_semaphore, #tpu.memory_space<semaphore_mem>>
    tpu.enqueue_indirect_dma source(%dma_start3A_153 : memref<100000x64xf32, #tpu.memory_space<hbm>>) target(%dma_start3A_147 : memref<128x64xf32, #tpu.memory_space<vmem>>) offsets(%dma_start3A_150 : memref<128xi32, #tpu.memory_space<vmem>>) semaphore(%dma_start3A_155 : memref<!tpu.dma_semaphore, #tpu.memory_space<semaphore_mem>>)
    %dma_wait3A_156 = arith.constant 1 : i32
    %dma_wait3A_157 = arith.constant 1 : i32
    %dma_wait3A_158 = arith.constant 1 : i32
    %dma_wait3A_159 = arith.constant 0 : i32
    %dma_wait3A_160 = arith.constant 0 : i32
    %dma_wait3A_161 = arith.constant 0 : i32
    %dma_wait3A_162 = tpu.memref_slice %arg10[%dma_wait3A_157, %dma_wait3A_160, %dma_wait3A_161] : memref<2x128x64xf32, #tpu.memory_space<vmem>> -> memref<1x128x64xf32, #tpu.memory_space<vmem>>
    %dma_wait3A_163 = tpu.memref_squeeze %dma_wait3A_162 : memref<1x128x64xf32, #tpu.memory_space<vmem>> -> memref<128x64xf32, #tpu.memory_space<vmem>>
    %dma_wait3A_164 = arith.constant 0 : i32
    %dma_wait3A_165 = tpu.memref_slice %arg8[%dma_wait3A_156, %dma_wait3A_164] : memref<4x128xi32, #tpu.memory_space<vmem>> -> memref<1x128xi32, #tpu.memory_space<vmem>>
    %dma_wait3A_166 = tpu.memref_squeeze %dma_wait3A_165 : memref<1x128xi32, #tpu.memory_space<vmem>> -> memref<128xi32, #tpu.memory_space<vmem>>
    %dma_wait3A_167 = arith.constant 0 : i32
    %dma_wait3A_168 = arith.constant 0 : i32
    %dma_wait3A_169 = tpu.memref_slice %arg4[%dma_wait3A_167, %dma_wait3A_168] : memref<1000000x64xf32, #tpu.memory_space<hbm>> -> memref<1000000x64xf32, #tpu.memory_space<hbm>>
    %dma_wait3A_170 = tpu.memref_slice %arg12[%dma_wait3A_158, %dma_wait3A_159] : memref<2x2x!tpu.dma_semaphore, #tpu.memory_space<semaphore_mem>> -> memref<1x1x!tpu.dma_semaphore, #tpu.memory_space<semaphore_mem>>
    %dma_wait3A_171 = tpu.memref_squeeze %dma_wait3A_170 : memref<1x1x!tpu.dma_semaphore, #tpu.memory_space<semaphore_mem>> -> memref<!tpu.dma_semaphore, #tpu.memory_space<semaphore_mem>>
    tpu.wait_indirect_dma semaphore(%dma_wait3A_171 : memref<!tpu.dma_semaphore, #tpu.memory_space<semaphore_mem>>) src(%dma_wait3A_169 : memref<1000000x64xf32, #tpu.memory_space<hbm>>) dst(%dma_wait3A_163 : memref<128x64xf32, #tpu.memory_space<vmem>>)
    %dma_wait3A_172 = arith.constant 1 : i32
    %dma_wait3A_173 = arith.constant 1 : i32
    %dma_wait3A_174 = arith.constant 1 : i32
    %dma_wait3A_175 = arith.constant 1 : i32
    %dma_wait3A_176 = arith.constant 0 : i32
    %dma_wait3A_177 = arith.constant 0 : i32
    %dma_wait3A_178 = tpu.memref_slice %arg11[%dma_wait3A_173, %dma_wait3A_176, %dma_wait3A_177] : memref<2x128x64xf32, #tpu.memory_space<vmem>> -> memref<1x128x64xf32, #tpu.memory_space<vmem>>
    %dma_wait3A_179 = tpu.memref_squeeze %dma_wait3A_178 : memref<1x128x64xf32, #tpu.memory_space<vmem>> -> memref<128x64xf32, #tpu.memory_space<vmem>>
    %dma_wait3A_180 = arith.constant 0 : i32
    %dma_wait3A_181 = tpu.memref_slice %arg9[%dma_wait3A_172, %dma_wait3A_180] : memref<4x128xi32, #tpu.memory_space<vmem>> -> memref<1x128xi32, #tpu.memory_space<vmem>>
    %dma_wait3A_182 = tpu.memref_squeeze %dma_wait3A_181 : memref<1x128xi32, #tpu.memory_space<vmem>> -> memref<128xi32, #tpu.memory_space<vmem>>
    %dma_wait3A_183 = arith.constant 0 : i32
    %dma_wait3A_184 = arith.constant 0 : i32
    %dma_wait3A_185 = tpu.memref_slice %arg5[%dma_wait3A_183, %dma_wait3A_184] : memref<100000x64xf32, #tpu.memory_space<hbm>> -> memref<100000x64xf32, #tpu.memory_space<hbm>>
    %dma_wait3A_186 = tpu.memref_slice %arg12[%dma_wait3A_174, %dma_wait3A_175] : memref<2x2x!tpu.dma_semaphore, #tpu.memory_space<semaphore_mem>> -> memref<1x1x!tpu.dma_semaphore, #tpu.memory_space<semaphore_mem>>
    %dma_wait3A_187 = tpu.memref_squeeze %dma_wait3A_186 : memref<1x1x!tpu.dma_semaphore, #tpu.memory_space<semaphore_mem>> -> memref<!tpu.dma_semaphore, #tpu.memory_space<semaphore_mem>>
    tpu.wait_indirect_dma semaphore(%dma_wait3A_187 : memref<!tpu.dma_semaphore, #tpu.memory_space<semaphore_mem>>) src(%dma_wait3A_185 : memref<100000x64xf32, #tpu.memory_space<hbm>>) dst(%dma_wait3A_179 : memref<128x64xf32, #tpu.memory_space<vmem>>)
    %add3A_188 = arith.constant 128 : i32
    %add3A_189 = arith.addi %multiple_of3A, %add3A_188 : i32
    %run_scoped3A_190 = arith.constant 1 : i32
    "tpu.region"() ({
      %run_scoped3A_296 = tpu.sem_alloc : memref<!tpu.dma_semaphore, #tpu.memory_space<semaphore_mem>>
      %dma_start3A_297 = arith.constant 0 : i32
      %dma_start3A_298 = arith.constant 0 : i32
      %dma_start3A_299 = tpu.memref_slice %arg10[%run_scoped3A_190, %dma_start3A_297, %dma_start3A_298] : memref<2x128x64xf32, #tpu.memory_space<vmem>> -> memref<1x128x64xf32, #tpu.memory_space<vmem>>
      %dma_start3A_300 = tpu.memref_squeeze %dma_start3A_299 : memref<1x128x64xf32, #tpu.memory_space<vmem>> -> memref<128x64xf32, #tpu.memory_space<vmem>>
      %dma_start3A_301 = arith.constant 0 : i32
      %dma_start3A_302 = tpu.memref_slice %arg6[%add3A_189, %dma_start3A_301] : memref<16384x64xf32, #tpu.memory_space<hbm>> -> memref<128x64xf32, #tpu.memory_space<hbm>>
      %dma_start3A_303 = arith.constant 0 : i32
      %dma_start3A_304 = tpu.memref_slice %arg6[%add3A_189, %dma_start3A_303] : memref<16384x64xf32, #tpu.memory_space<hbm>> -> memref<128x64xf32, #tpu.memory_space<hbm>>
      %dma_start3A_305 = arith.constant 0 : i32
      %dma_start3A_306 = arith.constant 0 : i32
      %dma_start3A_307 = tpu.memref_slice %arg10[%run_scoped3A_190, %dma_start3A_305, %dma_start3A_306] : memref<2x128x64xf32, #tpu.memory_space<vmem>> -> memref<1x128x64xf32, #tpu.memory_space<vmem>>
      %dma_start3A_308 = tpu.memref_squeeze %dma_start3A_307 : memref<1x128x64xf32, #tpu.memory_space<vmem>> -> memref<128x64xf32, #tpu.memory_space<vmem>>
      tpu.enqueue_dma source(%dma_start3A_308 : memref<128x64xf32, #tpu.memory_space<vmem>>) target(%dma_start3A_304 : memref<128x64xf32, #tpu.memory_space<hbm>>) target_semaphore(%run_scoped3A_296 : memref<!tpu.dma_semaphore, #tpu.memory_space<semaphore_mem>>)
      %dma_wait3A_309 = arith.constant 0 : i32
      %dma_wait3A_310 = arith.constant 0 : i32
      %dma_wait3A_311 = tpu.memref_slice %arg10[%run_scoped3A_190, %dma_wait3A_309, %dma_wait3A_310] : memref<2x128x64xf32, #tpu.memory_space<vmem>> -> memref<1x128x64xf32, #tpu.memory_space<vmem>>
      %dma_wait3A_312 = tpu.memref_squeeze %dma_wait3A_311 : memref<1x128x64xf32, #tpu.memory_space<vmem>> -> memref<128x64xf32, #tpu.memory_space<vmem>>
      %dma_wait3A_313 = arith.constant 0 : i32
      %dma_wait3A_314 = tpu.memref_slice %arg6[%add3A_189, %dma_wait3A_313] : memref<16384x64xf32, #tpu.memory_space<hbm>> -> memref<128x64xf32, #tpu.memory_space<hbm>>
      %dma_wait3A_315 = arith.constant 0 : i32
      %dma_wait3A_316 = tpu.memref_slice %arg6[%add3A_189, %dma_wait3A_315] : memref<16384x64xf32, #tpu.memory_space<hbm>> -> memref<128x64xf32, #tpu.memory_space<hbm>>
      %dma_wait3A_317 = arith.constant 0 : i32
      %dma_wait3A_318 = arith.constant 0 : i32
      %dma_wait3A_319 = tpu.memref_slice %arg10[%run_scoped3A_190, %dma_wait3A_317, %dma_wait3A_318] : memref<2x128x64xf32, #tpu.memory_space<vmem>> -> memref<1x128x64xf32, #tpu.memory_space<vmem>>
      %dma_wait3A_320 = tpu.memref_squeeze %dma_wait3A_319 : memref<1x128x64xf32, #tpu.memory_space<vmem>> -> memref<128x64xf32, #tpu.memory_space<vmem>>
      tpu.wait_dma2 semaphore(%run_scoped3A_296 : memref<!tpu.dma_semaphore, #tpu.memory_space<semaphore_mem>>) src(%dma_wait3A_320 : memref<128x64xf32, #tpu.memory_space<vmem>>) dst(%dma_wait3A_316 : memref<128x64xf32, #tpu.memory_space<hbm>>)
      tpu.yield
    }) : () -> ()
    %run_scoped3A_191 = arith.constant 1 : i32
    "tpu.region"() ({
      %run_scoped3A_296 = tpu.sem_alloc : memref<!tpu.dma_semaphore, #tpu.memory_space<semaphore_mem>>
      %dma_start3A_297 = arith.constant 0 : i32
      %dma_start3A_298 = arith.constant 0 : i32
      %dma_start3A_299 = tpu.memref_slice %arg11[%run_scoped3A_191, %dma_start3A_297, %dma_start3A_298] : memref<2x128x64xf32, #tpu.memory_space<vmem>> -> memref<1x128x64xf32, #tpu.memory_space<vmem>>
      %dma_start3A_300 = tpu.memref_squeeze %dma_start3A_299 : memref<1x128x64xf32, #tpu.memory_space<vmem>> -> memref<128x64xf32, #tpu.memory_space<vmem>>
      %dma_start3A_301 = arith.constant 0 : i32
      %dma_start3A_302 = tpu.memref_slice %arg7[%add3A_189, %dma_start3A_301] : memref<16384x64xf32, #tpu.memory_space<hbm>> -> memref<128x64xf32, #tpu.memory_space<hbm>>
      %dma_start3A_303 = arith.constant 0 : i32
      %dma_start3A_304 = tpu.memref_slice %arg7[%add3A_189, %dma_start3A_303] : memref<16384x64xf32, #tpu.memory_space<hbm>> -> memref<128x64xf32, #tpu.memory_space<hbm>>
      %dma_start3A_305 = arith.constant 0 : i32
      %dma_start3A_306 = arith.constant 0 : i32
      %dma_start3A_307 = tpu.memref_slice %arg11[%run_scoped3A_191, %dma_start3A_305, %dma_start3A_306] : memref<2x128x64xf32, #tpu.memory_space<vmem>> -> memref<1x128x64xf32, #tpu.memory_space<vmem>>
      %dma_start3A_308 = tpu.memref_squeeze %dma_start3A_307 : memref<1x128x64xf32, #tpu.memory_space<vmem>> -> memref<128x64xf32, #tpu.memory_space<vmem>>
      tpu.enqueue_dma source(%dma_start3A_308 : memref<128x64xf32, #tpu.memory_space<vmem>>) target(%dma_start3A_304 : memref<128x64xf32, #tpu.memory_space<hbm>>) target_semaphore(%run_scoped3A_296 : memref<!tpu.dma_semaphore, #tpu.memory_space<semaphore_mem>>)
      %dma_wait3A_309 = arith.constant 0 : i32
      %dma_wait3A_310 = arith.constant 0 : i32
      %dma_wait3A_311 = tpu.memref_slice %arg11[%run_scoped3A_191, %dma_wait3A_309, %dma_wait3A_310] : memref<2x128x64xf32, #tpu.memory_space<vmem>> -> memref<1x128x64xf32, #tpu.memory_space<vmem>>
      %dma_wait3A_312 = tpu.memref_squeeze %dma_wait3A_311 : memref<1x128x64xf32, #tpu.memory_space<vmem>> -> memref<128x64xf32, #tpu.memory_space<vmem>>
      %dma_wait3A_313 = arith.constant 0 : i32
      %dma_wait3A_314 = tpu.memref_slice %arg7[%add3A_189, %dma_wait3A_313] : memref<16384x64xf32, #tpu.memory_space<hbm>> -> memref<128x64xf32, #tpu.memory_space<hbm>>
      %dma_wait3A_315 = arith.constant 0 : i32
      %dma_wait3A_316 = tpu.memref_slice %arg7[%add3A_189, %dma_wait3A_315] : memref<16384x64xf32, #tpu.memory_space<hbm>> -> memref<128x64xf32, #tpu.memory_space<hbm>>
      %dma_wait3A_317 = arith.constant 0 : i32
      %dma_wait3A_318 = arith.constant 0 : i32
      %dma_wait3A_319 = tpu.memref_slice %arg11[%run_scoped3A_191, %dma_wait3A_317, %dma_wait3A_318] : memref<2x128x64xf32, #tpu.memory_space<vmem>> -> memref<1x128x64xf32, #tpu.memory_space<vmem>>
      %dma_wait3A_320 = tpu.memref_squeeze %dma_wait3A_319 : memref<1x128x64xf32, #tpu.memory_space<vmem>> -> memref<128x64xf32, #tpu.memory_space<vmem>>
      tpu.wait_dma2 semaphore(%run_scoped3A_296 : memref<!tpu.dma_semaphore, #tpu.memory_space<semaphore_mem>>) src(%dma_wait3A_320 : memref<128x64xf32, #tpu.memory_space<vmem>>) dst(%dma_wait3A_316 : memref<128x64xf32, #tpu.memory_space<hbm>>)
      tpu.yield
    }) : () -> ()
    %dma_start3A_192 = arith.constant 3 : i32
    %dma_start3A_193 = arith.constant 1 : i32
    %dma_start3A_194 = arith.constant 1 : i32
    %dma_start3A_195 = arith.constant 0 : i32
    %dma_start3A_196 = arith.constant 0 : i32
    %dma_start3A_197 = arith.constant 0 : i32
    %dma_start3A_198 = tpu.memref_slice %arg10[%dma_start3A_193, %dma_start3A_196, %dma_start3A_197] : memref<2x128x64xf32, #tpu.memory_space<vmem>> -> memref<1x128x64xf32, #tpu.memory_space<vmem>>
    %dma_start3A_199 = tpu.memref_squeeze %dma_start3A_198 : memref<1x128x64xf32, #tpu.memory_space<vmem>> -> memref<128x64xf32, #tpu.memory_space<vmem>>
    %dma_start3A_200 = arith.constant 0 : i32
    %dma_start3A_201 = tpu.memref_slice %arg8[%dma_start3A_192, %dma_start3A_200] : memref<4x128xi32, #tpu.memory_space<vmem>> -> memref<1x128xi32, #tpu.memory_space<vmem>>
    %dma_start3A_202 = tpu.memref_squeeze %dma_start3A_201 : memref<1x128xi32, #tpu.memory_space<vmem>> -> memref<128xi32, #tpu.memory_space<vmem>>
    %dma_start3A_203 = arith.constant 0 : i32
    %dma_start3A_204 = arith.constant 0 : i32
    %dma_start3A_205 = tpu.memref_slice %arg4[%dma_start3A_203, %dma_start3A_204] : memref<1000000x64xf32, #tpu.memory_space<hbm>> -> memref<1000000x64xf32, #tpu.memory_space<hbm>>
    %dma_start3A_206 = tpu.memref_slice %arg12[%dma_start3A_194, %dma_start3A_195] : memref<2x2x!tpu.dma_semaphore, #tpu.memory_space<semaphore_mem>> -> memref<1x1x!tpu.dma_semaphore, #tpu.memory_space<semaphore_mem>>
    %dma_start3A_207 = tpu.memref_squeeze %dma_start3A_206 : memref<1x1x!tpu.dma_semaphore, #tpu.memory_space<semaphore_mem>> -> memref<!tpu.dma_semaphore, #tpu.memory_space<semaphore_mem>>
    tpu.enqueue_indirect_dma source(%dma_start3A_205 : memref<1000000x64xf32, #tpu.memory_space<hbm>>) target(%dma_start3A_199 : memref<128x64xf32, #tpu.memory_space<vmem>>) offsets(%dma_start3A_202 : memref<128xi32, #tpu.memory_space<vmem>>) semaphore(%dma_start3A_207 : memref<!tpu.dma_semaphore, #tpu.memory_space<semaphore_mem>>)
    %dma_start3A_208 = arith.constant 3 : i32
    %dma_start3A_209 = arith.constant 1 : i32
    %dma_start3A_210 = arith.constant 1 : i32
    %dma_start3A_211 = arith.constant 1 : i32
    %dma_start3A_212 = arith.constant 0 : i32
    %dma_start3A_213 = arith.constant 0 : i32
    %dma_start3A_214 = tpu.memref_slice %arg11[%dma_start3A_209, %dma_start3A_212, %dma_start3A_213] : memref<2x128x64xf32, #tpu.memory_space<vmem>> -> memref<1x128x64xf32, #tpu.memory_space<vmem>>
    %dma_start3A_215 = tpu.memref_squeeze %dma_start3A_214 : memref<1x128x64xf32, #tpu.memory_space<vmem>> -> memref<128x64xf32, #tpu.memory_space<vmem>>
    %dma_start3A_216 = arith.constant 0 : i32
    %dma_start3A_217 = tpu.memref_slice %arg9[%dma_start3A_208, %dma_start3A_216] : memref<4x128xi32, #tpu.memory_space<vmem>> -> memref<1x128xi32, #tpu.memory_space<vmem>>
    %dma_start3A_218 = tpu.memref_squeeze %dma_start3A_217 : memref<1x128xi32, #tpu.memory_space<vmem>> -> memref<128xi32, #tpu.memory_space<vmem>>
    %dma_start3A_219 = arith.constant 0 : i32
    %dma_start3A_220 = arith.constant 0 : i32
    %dma_start3A_221 = tpu.memref_slice %arg5[%dma_start3A_219, %dma_start3A_220] : memref<100000x64xf32, #tpu.memory_space<hbm>> -> memref<100000x64xf32, #tpu.memory_space<hbm>>
    %dma_start3A_222 = tpu.memref_slice %arg12[%dma_start3A_210, %dma_start3A_211] : memref<2x2x!tpu.dma_semaphore, #tpu.memory_space<semaphore_mem>> -> memref<1x1x!tpu.dma_semaphore, #tpu.memory_space<semaphore_mem>>
    %dma_start3A_223 = tpu.memref_squeeze %dma_start3A_222 : memref<1x1x!tpu.dma_semaphore, #tpu.memory_space<semaphore_mem>> -> memref<!tpu.dma_semaphore, #tpu.memory_space<semaphore_mem>>
    tpu.enqueue_indirect_dma source(%dma_start3A_221 : memref<100000x64xf32, #tpu.memory_space<hbm>>) target(%dma_start3A_215 : memref<128x64xf32, #tpu.memory_space<vmem>>) offsets(%dma_start3A_218 : memref<128xi32, #tpu.memory_space<vmem>>) semaphore(%dma_start3A_223 : memref<!tpu.dma_semaphore, #tpu.memory_space<semaphore_mem>>)
    %dma_wait3A_224 = arith.constant 2 : i32
    %dma_wait3A_225 = arith.constant 0 : i32
    %dma_wait3A_226 = arith.constant 0 : i32
    %dma_wait3A_227 = arith.constant 0 : i32
    %dma_wait3A_228 = arith.constant 0 : i32
    %dma_wait3A_229 = arith.constant 0 : i32
    %dma_wait3A_230 = tpu.memref_slice %arg10[%dma_wait3A_225, %dma_wait3A_228, %dma_wait3A_229] : memref<2x128x64xf32, #tpu.memory_space<vmem>> -> memref<1x128x64xf32, #tpu.memory_space<vmem>>
    %dma_wait3A_231 = tpu.memref_squeeze %dma_wait3A_230 : memref<1x128x64xf32, #tpu.memory_space<vmem>> -> memref<128x64xf32, #tpu.memory_space<vmem>>
    %dma_wait3A_232 = arith.constant 0 : i32
    %dma_wait3A_233 = tpu.memref_slice %arg8[%dma_wait3A_224, %dma_wait3A_232] : memref<4x128xi32, #tpu.memory_space<vmem>> -> memref<1x128xi32, #tpu.memory_space<vmem>>
    %dma_wait3A_234 = tpu.memref_squeeze %dma_wait3A_233 : memref<1x128xi32, #tpu.memory_space<vmem>> -> memref<128xi32, #tpu.memory_space<vmem>>
    %dma_wait3A_235 = arith.constant 0 : i32
    %dma_wait3A_236 = arith.constant 0 : i32
    %dma_wait3A_237 = tpu.memref_slice %arg4[%dma_wait3A_235, %dma_wait3A_236] : memref<1000000x64xf32, #tpu.memory_space<hbm>> -> memref<1000000x64xf32, #tpu.memory_space<hbm>>
    %dma_wait3A_238 = tpu.memref_slice %arg12[%dma_wait3A_226, %dma_wait3A_227] : memref<2x2x!tpu.dma_semaphore, #tpu.memory_space<semaphore_mem>> -> memref<1x1x!tpu.dma_semaphore, #tpu.memory_space<semaphore_mem>>
    %dma_wait3A_239 = tpu.memref_squeeze %dma_wait3A_238 : memref<1x1x!tpu.dma_semaphore, #tpu.memory_space<semaphore_mem>> -> memref<!tpu.dma_semaphore, #tpu.memory_space<semaphore_mem>>
    tpu.wait_indirect_dma semaphore(%dma_wait3A_239 : memref<!tpu.dma_semaphore, #tpu.memory_space<semaphore_mem>>) src(%dma_wait3A_237 : memref<1000000x64xf32, #tpu.memory_space<hbm>>) dst(%dma_wait3A_231 : memref<128x64xf32, #tpu.memory_space<vmem>>)
    %dma_wait3A_240 = arith.constant 2 : i32
    %dma_wait3A_241 = arith.constant 0 : i32
    %dma_wait3A_242 = arith.constant 0 : i32
    %dma_wait3A_243 = arith.constant 1 : i32
    %dma_wait3A_244 = arith.constant 0 : i32
    %dma_wait3A_245 = arith.constant 0 : i32
    %dma_wait3A_246 = tpu.memref_slice %arg11[%dma_wait3A_241, %dma_wait3A_244, %dma_wait3A_245] : memref<2x128x64xf32, #tpu.memory_space<vmem>> -> memref<1x128x64xf32, #tpu.memory_space<vmem>>
    %dma_wait3A_247 = tpu.memref_squeeze %dma_wait3A_246 : memref<1x128x64xf32, #tpu.memory_space<vmem>> -> memref<128x64xf32, #tpu.memory_space<vmem>>
    %dma_wait3A_248 = arith.constant 0 : i32
    %dma_wait3A_249 = tpu.memref_slice %arg9[%dma_wait3A_240, %dma_wait3A_248] : memref<4x128xi32, #tpu.memory_space<vmem>> -> memref<1x128xi32, #tpu.memory_space<vmem>>
    %dma_wait3A_250 = tpu.memref_squeeze %dma_wait3A_249 : memref<1x128xi32, #tpu.memory_space<vmem>> -> memref<128xi32, #tpu.memory_space<vmem>>
    %dma_wait3A_251 = arith.constant 0 : i32
    %dma_wait3A_252 = arith.constant 0 : i32
    %dma_wait3A_253 = tpu.memref_slice %arg5[%dma_wait3A_251, %dma_wait3A_252] : memref<100000x64xf32, #tpu.memory_space<hbm>> -> memref<100000x64xf32, #tpu.memory_space<hbm>>
    %dma_wait3A_254 = tpu.memref_slice %arg12[%dma_wait3A_242, %dma_wait3A_243] : memref<2x2x!tpu.dma_semaphore, #tpu.memory_space<semaphore_mem>> -> memref<1x1x!tpu.dma_semaphore, #tpu.memory_space<semaphore_mem>>
    %dma_wait3A_255 = tpu.memref_squeeze %dma_wait3A_254 : memref<1x1x!tpu.dma_semaphore, #tpu.memory_space<semaphore_mem>> -> memref<!tpu.dma_semaphore, #tpu.memory_space<semaphore_mem>>
    tpu.wait_indirect_dma semaphore(%dma_wait3A_255 : memref<!tpu.dma_semaphore, #tpu.memory_space<semaphore_mem>>) src(%dma_wait3A_253 : memref<100000x64xf32, #tpu.memory_space<hbm>>) dst(%dma_wait3A_247 : memref<128x64xf32, #tpu.memory_space<vmem>>)
    %add3A_256 = arith.constant 256 : i32
    %add3A_257 = arith.addi %multiple_of3A, %add3A_256 : i32
    %run_scoped3A_258 = arith.constant 0 : i32
    "tpu.region"() ({
      %run_scoped3A_296 = tpu.sem_alloc : memref<!tpu.dma_semaphore, #tpu.memory_space<semaphore_mem>>
      %dma_start3A_297 = arith.constant 0 : i32
      %dma_start3A_298 = arith.constant 0 : i32
      %dma_start3A_299 = tpu.memref_slice %arg10[%run_scoped3A_258, %dma_start3A_297, %dma_start3A_298] : memref<2x128x64xf32, #tpu.memory_space<vmem>> -> memref<1x128x64xf32, #tpu.memory_space<vmem>>
      %dma_start3A_300 = tpu.memref_squeeze %dma_start3A_299 : memref<1x128x64xf32, #tpu.memory_space<vmem>> -> memref<128x64xf32, #tpu.memory_space<vmem>>
      %dma_start3A_301 = arith.constant 0 : i32
      %dma_start3A_302 = tpu.memref_slice %arg6[%add3A_257, %dma_start3A_301] : memref<16384x64xf32, #tpu.memory_space<hbm>> -> memref<128x64xf32, #tpu.memory_space<hbm>>
      %dma_start3A_303 = arith.constant 0 : i32
      %dma_start3A_304 = tpu.memref_slice %arg6[%add3A_257, %dma_start3A_303] : memref<16384x64xf32, #tpu.memory_space<hbm>> -> memref<128x64xf32, #tpu.memory_space<hbm>>
      %dma_start3A_305 = arith.constant 0 : i32
      %dma_start3A_306 = arith.constant 0 : i32
      %dma_start3A_307 = tpu.memref_slice %arg10[%run_scoped3A_258, %dma_start3A_305, %dma_start3A_306] : memref<2x128x64xf32, #tpu.memory_space<vmem>> -> memref<1x128x64xf32, #tpu.memory_space<vmem>>
      %dma_start3A_308 = tpu.memref_squeeze %dma_start3A_307 : memref<1x128x64xf32, #tpu.memory_space<vmem>> -> memref<128x64xf32, #tpu.memory_space<vmem>>
      tpu.enqueue_dma source(%dma_start3A_308 : memref<128x64xf32, #tpu.memory_space<vmem>>) target(%dma_start3A_304 : memref<128x64xf32, #tpu.memory_space<hbm>>) target_semaphore(%run_scoped3A_296 : memref<!tpu.dma_semaphore, #tpu.memory_space<semaphore_mem>>)
      %dma_wait3A_309 = arith.constant 0 : i32
      %dma_wait3A_310 = arith.constant 0 : i32
      %dma_wait3A_311 = tpu.memref_slice %arg10[%run_scoped3A_258, %dma_wait3A_309, %dma_wait3A_310] : memref<2x128x64xf32, #tpu.memory_space<vmem>> -> memref<1x128x64xf32, #tpu.memory_space<vmem>>
      %dma_wait3A_312 = tpu.memref_squeeze %dma_wait3A_311 : memref<1x128x64xf32, #tpu.memory_space<vmem>> -> memref<128x64xf32, #tpu.memory_space<vmem>>
      %dma_wait3A_313 = arith.constant 0 : i32
      %dma_wait3A_314 = tpu.memref_slice %arg6[%add3A_257, %dma_wait3A_313] : memref<16384x64xf32, #tpu.memory_space<hbm>> -> memref<128x64xf32, #tpu.memory_space<hbm>>
      %dma_wait3A_315 = arith.constant 0 : i32
      %dma_wait3A_316 = tpu.memref_slice %arg6[%add3A_257, %dma_wait3A_315] : memref<16384x64xf32, #tpu.memory_space<hbm>> -> memref<128x64xf32, #tpu.memory_space<hbm>>
      %dma_wait3A_317 = arith.constant 0 : i32
      %dma_wait3A_318 = arith.constant 0 : i32
      %dma_wait3A_319 = tpu.memref_slice %arg10[%run_scoped3A_258, %dma_wait3A_317, %dma_wait3A_318] : memref<2x128x64xf32, #tpu.memory_space<vmem>> -> memref<1x128x64xf32, #tpu.memory_space<vmem>>
      %dma_wait3A_320 = tpu.memref_squeeze %dma_wait3A_319 : memref<1x128x64xf32, #tpu.memory_space<vmem>> -> memref<128x64xf32, #tpu.memory_space<vmem>>
      tpu.wait_dma2 semaphore(%run_scoped3A_296 : memref<!tpu.dma_semaphore, #tpu.memory_space<semaphore_mem>>) src(%dma_wait3A_320 : memref<128x64xf32, #tpu.memory_space<vmem>>) dst(%dma_wait3A_316 : memref<128x64xf32, #tpu.memory_space<hbm>>)
      tpu.yield
    }) : () -> ()
    %run_scoped3A_259 = arith.constant 0 : i32
    "tpu.region"() ({
      %run_scoped3A_296 = tpu.sem_alloc : memref<!tpu.dma_semaphore, #tpu.memory_space<semaphore_mem>>
      %dma_start3A_297 = arith.constant 0 : i32
      %dma_start3A_298 = arith.constant 0 : i32
      %dma_start3A_299 = tpu.memref_slice %arg11[%run_scoped3A_259, %dma_start3A_297, %dma_start3A_298] : memref<2x128x64xf32, #tpu.memory_space<vmem>> -> memref<1x128x64xf32, #tpu.memory_space<vmem>>
      %dma_start3A_300 = tpu.memref_squeeze %dma_start3A_299 : memref<1x128x64xf32, #tpu.memory_space<vmem>> -> memref<128x64xf32, #tpu.memory_space<vmem>>
      %dma_start3A_301 = arith.constant 0 : i32
      %dma_start3A_302 = tpu.memref_slice %arg7[%add3A_257, %dma_start3A_301] : memref<16384x64xf32, #tpu.memory_space<hbm>> -> memref<128x64xf32, #tpu.memory_space<hbm>>
      %dma_start3A_303 = arith.constant 0 : i32
      %dma_start3A_304 = tpu.memref_slice %arg7[%add3A_257, %dma_start3A_303] : memref<16384x64xf32, #tpu.memory_space<hbm>> -> memref<128x64xf32, #tpu.memory_space<hbm>>
      %dma_start3A_305 = arith.constant 0 : i32
      %dma_start3A_306 = arith.constant 0 : i32
      %dma_start3A_307 = tpu.memref_slice %arg11[%run_scoped3A_259, %dma_start3A_305, %dma_start3A_306] : memref<2x128x64xf32, #tpu.memory_space<vmem>> -> memref<1x128x64xf32, #tpu.memory_space<vmem>>
      %dma_start3A_308 = tpu.memref_squeeze %dma_start3A_307 : memref<1x128x64xf32, #tpu.memory_space<vmem>> -> memref<128x64xf32, #tpu.memory_space<vmem>>
      tpu.enqueue_dma source(%dma_start3A_308 : memref<128x64xf32, #tpu.memory_space<vmem>>) target(%dma_start3A_304 : memref<128x64xf32, #tpu.memory_space<hbm>>) target_semaphore(%run_scoped3A_296 : memref<!tpu.dma_semaphore, #tpu.memory_space<semaphore_mem>>)
      %dma_wait3A_309 = arith.constant 0 : i32
      %dma_wait3A_310 = arith.constant 0 : i32
      %dma_wait3A_311 = tpu.memref_slice %arg11[%run_scoped3A_259, %dma_wait3A_309, %dma_wait3A_310] : memref<2x128x64xf32, #tpu.memory_space<vmem>> -> memref<1x128x64xf32, #tpu.memory_space<vmem>>
      %dma_wait3A_312 = tpu.memref_squeeze %dma_wait3A_311 : memref<1x128x64xf32, #tpu.memory_space<vmem>> -> memref<128x64xf32, #tpu.memory_space<vmem>>
      %dma_wait3A_313 = arith.constant 0 : i32
      %dma_wait3A_314 = tpu.memref_slice %arg7[%add3A_257, %dma_wait3A_313] : memref<16384x64xf32, #tpu.memory_space<hbm>> -> memref<128x64xf32, #tpu.memory_space<hbm>>
      %dma_wait3A_315 = arith.constant 0 : i32
      %dma_wait3A_316 = tpu.memref_slice %arg7[%add3A_257, %dma_wait3A_315] : memref<16384x64xf32, #tpu.memory_space<hbm>> -> memref<128x64xf32, #tpu.memory_space<hbm>>
      %dma_wait3A_317 = arith.constant 0 : i32
      %dma_wait3A_318 = arith.constant 0 : i32
      %dma_wait3A_319 = tpu.memref_slice %arg11[%run_scoped3A_259, %dma_wait3A_317, %dma_wait3A_318] : memref<2x128x64xf32, #tpu.memory_space<vmem>> -> memref<1x128x64xf32, #tpu.memory_space<vmem>>
      %dma_wait3A_320 = tpu.memref_squeeze %dma_wait3A_319 : memref<1x128x64xf32, #tpu.memory_space<vmem>> -> memref<128x64xf32, #tpu.memory_space<vmem>>
      tpu.wait_dma2 semaphore(%run_scoped3A_296 : memref<!tpu.dma_semaphore, #tpu.memory_space<semaphore_mem>>) src(%dma_wait3A_320 : memref<128x64xf32, #tpu.memory_space<vmem>>) dst(%dma_wait3A_316 : memref<128x64xf32, #tpu.memory_space<hbm>>)
      tpu.yield
    }) : () -> ()
    %dma_wait3A_260 = arith.constant 3 : i32
    %dma_wait3A_261 = arith.constant 1 : i32
    %dma_wait3A_262 = arith.constant 1 : i32
    %dma_wait3A_263 = arith.constant 0 : i32
    %dma_wait3A_264 = arith.constant 0 : i32
    %dma_wait3A_265 = arith.constant 0 : i32
    %dma_wait3A_266 = tpu.memref_slice %arg10[%dma_wait3A_261, %dma_wait3A_264, %dma_wait3A_265] : memref<2x128x64xf32, #tpu.memory_space<vmem>> -> memref<1x128x64xf32, #tpu.memory_space<vmem>>
    %dma_wait3A_267 = tpu.memref_squeeze %dma_wait3A_266 : memref<1x128x64xf32, #tpu.memory_space<vmem>> -> memref<128x64xf32, #tpu.memory_space<vmem>>
    %dma_wait3A_268 = arith.constant 0 : i32
    %dma_wait3A_269 = tpu.memref_slice %arg8[%dma_wait3A_260, %dma_wait3A_268] : memref<4x128xi32, #tpu.memory_space<vmem>> -> memref<1x128xi32, #tpu.memory_space<vmem>>
    %dma_wait3A_270 = tpu.memref_squeeze %dma_wait3A_269 : memref<1x128xi32, #tpu.memory_space<vmem>> -> memref<128xi32, #tpu.memory_space<vmem>>
    %dma_wait3A_271 = arith.constant 0 : i32
    %dma_wait3A_272 = arith.constant 0 : i32
    %dma_wait3A_273 = tpu.memref_slice %arg4[%dma_wait3A_271, %dma_wait3A_272] : memref<1000000x64xf32, #tpu.memory_space<hbm>> -> memref<1000000x64xf32, #tpu.memory_space<hbm>>
    %dma_wait3A_274 = tpu.memref_slice %arg12[%dma_wait3A_262, %dma_wait3A_263] : memref<2x2x!tpu.dma_semaphore, #tpu.memory_space<semaphore_mem>> -> memref<1x1x!tpu.dma_semaphore, #tpu.memory_space<semaphore_mem>>
    %dma_wait3A_275 = tpu.memref_squeeze %dma_wait3A_274 : memref<1x1x!tpu.dma_semaphore, #tpu.memory_space<semaphore_mem>> -> memref<!tpu.dma_semaphore, #tpu.memory_space<semaphore_mem>>
    tpu.wait_indirect_dma semaphore(%dma_wait3A_275 : memref<!tpu.dma_semaphore, #tpu.memory_space<semaphore_mem>>) src(%dma_wait3A_273 : memref<1000000x64xf32, #tpu.memory_space<hbm>>) dst(%dma_wait3A_267 : memref<128x64xf32, #tpu.memory_space<vmem>>)
    %dma_wait3A_276 = arith.constant 3 : i32
    %dma_wait3A_277 = arith.constant 1 : i32
    %dma_wait3A_278 = arith.constant 1 : i32
    %dma_wait3A_279 = arith.constant 1 : i32
    %dma_wait3A_280 = arith.constant 0 : i32
    %dma_wait3A_281 = arith.constant 0 : i32
    %dma_wait3A_282 = tpu.memref_slice %arg11[%dma_wait3A_277, %dma_wait3A_280, %dma_wait3A_281] : memref<2x128x64xf32, #tpu.memory_space<vmem>> -> memref<1x128x64xf32, #tpu.memory_space<vmem>>
    %dma_wait3A_283 = tpu.memref_squeeze %dma_wait3A_282 : memref<1x128x64xf32, #tpu.memory_space<vmem>> -> memref<128x64xf32, #tpu.memory_space<vmem>>
    %dma_wait3A_284 = arith.constant 0 : i32
    %dma_wait3A_285 = tpu.memref_slice %arg9[%dma_wait3A_276, %dma_wait3A_284] : memref<4x128xi32, #tpu.memory_space<vmem>> -> memref<1x128xi32, #tpu.memory_space<vmem>>
    %dma_wait3A_286 = tpu.memref_squeeze %dma_wait3A_285 : memref<1x128xi32, #tpu.memory_space<vmem>> -> memref<128xi32, #tpu.memory_space<vmem>>
    %dma_wait3A_287 = arith.constant 0 : i32
    %dma_wait3A_288 = arith.constant 0 : i32
    %dma_wait3A_289 = tpu.memref_slice %arg5[%dma_wait3A_287, %dma_wait3A_288] : memref<100000x64xf32, #tpu.memory_space<hbm>> -> memref<100000x64xf32, #tpu.memory_space<hbm>>
    %dma_wait3A_290 = tpu.memref_slice %arg12[%dma_wait3A_278, %dma_wait3A_279] : memref<2x2x!tpu.dma_semaphore, #tpu.memory_space<semaphore_mem>> -> memref<1x1x!tpu.dma_semaphore, #tpu.memory_space<semaphore_mem>>
    %dma_wait3A_291 = tpu.memref_squeeze %dma_wait3A_290 : memref<1x1x!tpu.dma_semaphore, #tpu.memory_space<semaphore_mem>> -> memref<!tpu.dma_semaphore, #tpu.memory_space<semaphore_mem>>
    tpu.wait_indirect_dma semaphore(%dma_wait3A_291 : memref<!tpu.dma_semaphore, #tpu.memory_space<semaphore_mem>>) src(%dma_wait3A_289 : memref<100000x64xf32, #tpu.memory_space<hbm>>) dst(%dma_wait3A_283 : memref<128x64xf32, #tpu.memory_space<vmem>>)
    %add3A_292 = arith.constant 384 : i32
    %add3A_293 = arith.addi %multiple_of3A, %add3A_292 : i32
    %run_scoped3A_294 = arith.constant 1 : i32
    "tpu.region"() ({
      %run_scoped3A_296 = tpu.sem_alloc : memref<!tpu.dma_semaphore, #tpu.memory_space<semaphore_mem>>
      %dma_start3A_297 = arith.constant 0 : i32
      %dma_start3A_298 = arith.constant 0 : i32
      %dma_start3A_299 = tpu.memref_slice %arg10[%run_scoped3A_294, %dma_start3A_297, %dma_start3A_298] : memref<2x128x64xf32, #tpu.memory_space<vmem>> -> memref<1x128x64xf32, #tpu.memory_space<vmem>>
      %dma_start3A_300 = tpu.memref_squeeze %dma_start3A_299 : memref<1x128x64xf32, #tpu.memory_space<vmem>> -> memref<128x64xf32, #tpu.memory_space<vmem>>
      %dma_start3A_301 = arith.constant 0 : i32
      %dma_start3A_302 = tpu.memref_slice %arg6[%add3A_293, %dma_start3A_301] : memref<16384x64xf32, #tpu.memory_space<hbm>> -> memref<128x64xf32, #tpu.memory_space<hbm>>
      %dma_start3A_303 = arith.constant 0 : i32
      %dma_start3A_304 = tpu.memref_slice %arg6[%add3A_293, %dma_start3A_303] : memref<16384x64xf32, #tpu.memory_space<hbm>> -> memref<128x64xf32, #tpu.memory_space<hbm>>
      %dma_start3A_305 = arith.constant 0 : i32
      %dma_start3A_306 = arith.constant 0 : i32
      %dma_start3A_307 = tpu.memref_slice %arg10[%run_scoped3A_294, %dma_start3A_305, %dma_start3A_306] : memref<2x128x64xf32, #tpu.memory_space<vmem>> -> memref<1x128x64xf32, #tpu.memory_space<vmem>>
      %dma_start3A_308 = tpu.memref_squeeze %dma_start3A_307 : memref<1x128x64xf32, #tpu.memory_space<vmem>> -> memref<128x64xf32, #tpu.memory_space<vmem>>
      tpu.enqueue_dma source(%dma_start3A_308 : memref<128x64xf32, #tpu.memory_space<vmem>>) target(%dma_start3A_304 : memref<128x64xf32, #tpu.memory_space<hbm>>) target_semaphore(%run_scoped3A_296 : memref<!tpu.dma_semaphore, #tpu.memory_space<semaphore_mem>>)
      %dma_wait3A_309 = arith.constant 0 : i32
      %dma_wait3A_310 = arith.constant 0 : i32
      %dma_wait3A_311 = tpu.memref_slice %arg10[%run_scoped3A_294, %dma_wait3A_309, %dma_wait3A_310] : memref<2x128x64xf32, #tpu.memory_space<vmem>> -> memref<1x128x64xf32, #tpu.memory_space<vmem>>
      %dma_wait3A_312 = tpu.memref_squeeze %dma_wait3A_311 : memref<1x128x64xf32, #tpu.memory_space<vmem>> -> memref<128x64xf32, #tpu.memory_space<vmem>>
      %dma_wait3A_313 = arith.constant 0 : i32
      %dma_wait3A_314 = tpu.memref_slice %arg6[%add3A_293, %dma_wait3A_313] : memref<16384x64xf32, #tpu.memory_space<hbm>> -> memref<128x64xf32, #tpu.memory_space<hbm>>
      %dma_wait3A_315 = arith.constant 0 : i32
      %dma_wait3A_316 = tpu.memref_slice %arg6[%add3A_293, %dma_wait3A_315] : memref<16384x64xf32, #tpu.memory_space<hbm>> -> memref<128x64xf32, #tpu.memory_space<hbm>>
      %dma_wait3A_317 = arith.constant 0 : i32
      %dma_wait3A_318 = arith.constant 0 : i32
      %dma_wait3A_319 = tpu.memref_slice %arg10[%run_scoped3A_294, %dma_wait3A_317, %dma_wait3A_318] : memref<2x128x64xf32, #tpu.memory_space<vmem>> -> memref<1x128x64xf32, #tpu.memory_space<vmem>>
      %dma_wait3A_320 = tpu.memref_squeeze %dma_wait3A_319 : memref<1x128x64xf32, #tpu.memory_space<vmem>> -> memref<128x64xf32, #tpu.memory_space<vmem>>
      tpu.wait_dma2 semaphore(%run_scoped3A_296 : memref<!tpu.dma_semaphore, #tpu.memory_space<semaphore_mem>>) src(%dma_wait3A_320 : memref<128x64xf32, #tpu.memory_space<vmem>>) dst(%dma_wait3A_316 : memref<128x64xf32, #tpu.memory_space<hbm>>)
      tpu.yield
    }) : () -> ()
    %run_scoped3A_295 = arith.constant 1 : i32
    "tpu.region"() ({
      %run_scoped3A_296 = tpu.sem_alloc : memref<!tpu.dma_semaphore, #tpu.memory_space<semaphore_mem>>
      %dma_start3A_297 = arith.constant 0 : i32
      %dma_start3A_298 = arith.constant 0 : i32
      %dma_start3A_299 = tpu.memref_slice %arg11[%run_scoped3A_295, %dma_start3A_297, %dma_start3A_298] : memref<2x128x64xf32, #tpu.memory_space<vmem>> -> memref<1x128x64xf32, #tpu.memory_space<vmem>>
      %dma_start3A_300 = tpu.memref_squeeze %dma_start3A_299 : memref<1x128x64xf32, #tpu.memory_space<vmem>> -> memref<128x64xf32, #tpu.memory_space<vmem>>
      %dma_start3A_301 = arith.constant 0 : i32
      %dma_start3A_302 = tpu.memref_slice %arg7[%add3A_293, %dma_start3A_301] : memref<16384x64xf32, #tpu.memory_space<hbm>> -> memref<128x64xf32, #tpu.memory_space<hbm>>
      %dma_start3A_303 = arith.constant 0 : i32
      %dma_start3A_304 = tpu.memref_slice %arg7[%add3A_293, %dma_start3A_303] : memref<16384x64xf32, #tpu.memory_space<hbm>> -> memref<128x64xf32, #tpu.memory_space<hbm>>
      %dma_start3A_305 = arith.constant 0 : i32
      %dma_start3A_306 = arith.constant 0 : i32
      %dma_start3A_307 = tpu.memref_slice %arg11[%run_scoped3A_295, %dma_start3A_305, %dma_start3A_306] : memref<2x128x64xf32, #tpu.memory_space<vmem>> -> memref<1x128x64xf32, #tpu.memory_space<vmem>>
      %dma_start3A_308 = tpu.memref_squeeze %dma_start3A_307 : memref<1x128x64xf32, #tpu.memory_space<vmem>> -> memref<128x64xf32, #tpu.memory_space<vmem>>
      tpu.enqueue_dma source(%dma_start3A_308 : memref<128x64xf32, #tpu.memory_space<vmem>>) target(%dma_start3A_304 : memref<128x64xf32, #tpu.memory_space<hbm>>) target_semaphore(%run_scoped3A_296 : memref<!tpu.dma_semaphore, #tpu.memory_space<semaphore_mem>>)
      %dma_wait3A_309 = arith.constant 0 : i32
      %dma_wait3A_310 = arith.constant 0 : i32
      %dma_wait3A_311 = tpu.memref_slice %arg11[%run_scoped3A_295, %dma_wait3A_309, %dma_wait3A_310] : memref<2x128x64xf32, #tpu.memory_space<vmem>> -> memref<1x128x64xf32, #tpu.memory_space<vmem>>
      %dma_wait3A_312 = tpu.memref_squeeze %dma_wait3A_311 : memref<1x128x64xf32, #tpu.memory_space<vmem>> -> memref<128x64xf32, #tpu.memory_space<vmem>>
      %dma_wait3A_313 = arith.constant 0 : i32
      %dma_wait3A_314 = tpu.memref_slice %arg7[%add3A_293, %dma_wait3A_313] : memref<16384x64xf32, #tpu.memory_space<hbm>> -> memref<128x64xf32, #tpu.memory_space<hbm>>
      %dma_wait3A_315 = arith.constant 0 : i32
      %dma_wait3A_316 = tpu.memref_slice %arg7[%add3A_293, %dma_wait3A_315] : memref<16384x64xf32, #tpu.memory_space<hbm>> -> memref<128x64xf32, #tpu.memory_space<hbm>>
      %dma_wait3A_317 = arith.constant 0 : i32
      %dma_wait3A_318 = arith.constant 0 : i32
      %dma_wait3A_319 = tpu.memref_slice %arg11[%run_scoped3A_295, %dma_wait3A_317, %dma_wait3A_318] : memref<2x128x64xf32, #tpu.memory_space<vmem>> -> memref<1x128x64xf32, #tpu.memory_space<vmem>>
      %dma_wait3A_320 = tpu.memref_squeeze %dma_wait3A_319 : memref<1x128x64xf32, #tpu.memory_space<vmem>> -> memref<128x64xf32, #tpu.memory_space<vmem>>
      tpu.wait_dma2 semaphore(%run_scoped3A_296 : memref<!tpu.dma_semaphore, #tpu.memory_space<semaphore_mem>>) src(%dma_wait3A_320 : memref<128x64xf32, #tpu.memory_space<vmem>>) dst(%dma_wait3A_316 : memref<128x64xf32, #tpu.memory_space<hbm>>)
      tpu.yield
    }) : () -> ()
    return
  }
}

module attributes {stable_mosaic.version = 14 : i64} {
  func.func @_dot_body(%arg0: i32, %arg1: memref<512x128xf32, #tpu.memory_space<vmem>>, %arg2: memref<512x128xf32, #tpu.memory_space<vmem>>, %arg3: memref<512xf32, #tpu.memory_space<vmem>>, %arg4: memref<512xf32, #tpu.memory_space<vmem>>) attributes {dimension_semantics = [#tpu.dimension_semantics<arbitrary>], iteration_bounds = array<i64: 16>, scalar_prefetch = 0 : i64, scratch_operands = 0 : i64, tpu.core_type = #tpu.core_type<tc>, window_params = [{transform_indices = @transform_0, window_bounds = array<i64: 512, 128>}, {transform_indices = @transform_1, window_bounds = array<i64: 512, 128>}, {transform_indices = @transform_2, window_bounds = array<i64: 512>}, {transform_indices = @transform_3, window_bounds = array<i64: 512>}]} {
    %get3A = arith.constant 0 : index
    %get3A_0 = arith.constant 0 : index
    %get3A_1 = vector.load %arg1[%get3A, %get3A_0] : memref<512x128xf32, #tpu.memory_space<vmem>>, vector<512x128xf32>
    %get3A_2 = arith.constant 0 : index
    %get3A_3 = arith.constant 0 : index
    %get3A_4 = vector.load %arg2[%get3A_2, %get3A_3] : memref<512x128xf32, #tpu.memory_space<vmem>>, vector<512x128xf32>
    %mul3A = arith.mulf %get3A_1, %get3A_4 : vector<512x128xf32>
    %slice3A = vector.extract_strided_slice %mul3A {offsets = [0, 0], sizes = [512, 64], strides = [1, 1]} : vector<512x128xf32> to vector<512x64xf32>
    %reduce_sum3A = arith.constant dense<0.000000e+00> : vector<512xf32>
    %reduce_sum3A_5 = vector.multi_reduction <add>, %slice3A, %reduce_sum3A [1] : vector<512x64xf32> to vector<512xf32>
    %swap3A = arith.constant 0 : index
    %swap3A_6 = vector.load %arg3[%swap3A] : memref<512xf32, #tpu.memory_space<vmem>>, vector<512xf32>
    tpu.vector_store %arg3[%swap3A], %reduce_sum3A_5 {strides = array<i32>} : memref<512xf32, #tpu.memory_space<vmem>>, vector<512xf32>,
    %slice3A_7 = vector.extract_strided_slice %mul3A {offsets = [0, 64], sizes = [512, 64], strides = [1, 1]} : vector<512x128xf32> to vector<512x64xf32>
    %reduce_sum3A_8 = arith.constant dense<0.000000e+00> : vector<512xf32>
    %reduce_sum3A_9 = vector.multi_reduction <add>, %slice3A_7, %reduce_sum3A_8 [1] : vector<512x64xf32> to vector<512xf32>
    %swap3A_10 = arith.constant 0 : index
    %swap3A_11 = vector.load %arg4[%swap3A_10] : memref<512xf32, #tpu.memory_space<vmem>>, vector<512xf32>
    tpu.vector_store %arg4[%swap3A_10], %reduce_sum3A_9 {strides = array<i32>} : memref<512xf32, #tpu.memory_space<vmem>>, vector<512xf32>,
    return
  }
  func.func @transform_0(%arg0: i32) -> (i32, i32) {
    %c0_i32 = arith.constant 0 : i32
    %c0_i32_0 = arith.constant 0 : i32
    return %arg0, %c0_i32 : i32, i32
  }
  func.func @transform_1(%arg0: i32) -> (i32, i32) {
    %c0_i32 = arith.constant 0 : i32
    %c0_i32_0 = arith.constant 0 : i32
    return %arg0, %c0_i32 : i32, i32
  }
  func.func @transform_2(%arg0: i32) -> i32 {
    %c0_i32 = arith.constant 0 : i32
    return %arg0 : i32
  }
  func.func @transform_3(%arg0: i32) -> i32 {
    %c0_i32 = arith.constant 0 : i32
    return %arg0 : i32
  }
}

</mosaic_0001>

<sc_bundles>
// kernel: kernel.4.cloned.1.call-start
scs
__scs_entry_jumppad:
0x0: {  	(pc) =	sbr.rel $0x88, $3  }
0x1: {  	(tag) =	ssettag $0x0;
	lr =	simm.s32 $0x1  }
0x2: {  	[smem:$0x3F9D] =	sst lr;
	_ =	strace $0xD0000000  }
0x3: {  	_ = 	snop  }
0x4: {  	_ = 	snop  }
0x5: {  	_ = 	snop  }
0x6: {  	_ = 	snop  }
0x7: {  	_ = 	snop  }
__scs_overlays_trampoline_lowered:
0x8: {  	[smem:$0x3FAC] =	sst s0  }
0x9: {  	[smem:$0x3FAD] =	sst s1  }
0xa: {  	[smem:$0x3FAE] =	sst s2  }
0xb: {  	[smem:$0x3FAF] =	sst s3  }
0xc: {  	[smem:$0x3FB0] =	sst s4  }
0xd: {  	[smem:$0x3FB1] =	sst s5  }
0xe: {  	[smem:$0x3FB2] =	sst s6  }
0xf: {  	[smem:$0x3FB3] =	sst s7  }
0x10: {  	[smem:$0x3FB4] =	sst s8  }
0x11: {  	[smem:$0x3FB5] =	sst s9;
	s0 =	simm.s32 @!p0 $0x0  }
0x12: {  	s1 =	sld [smem:$0x3F9B];
	s0 =	simm.s32 @p0 $0x1  }
0x13: {  	[smem:$0x3FB6] =	sst s0;
	s0 =	simm.s32 @!p1 $0x0  }
0x14: {  	s2 =	sld [smem:$0x3F9A];
	s0 =	simm.s32 @p1 $0x1  }
0x15: {  	[smem:$0x3FB7] =	sst s0;
	s0 =	simm.s32 @!p2 $0x0  }
0x16: {  	s3 =	sld [smem:$0x3FDB];
	s0 =	simm.s32 @p2 $0x1  }
0x17: {  	s4 =	simm.s32 $0x1BF5;
	[smem:$0x3FB9] =	sst s0  }
0x18: {  	s0 =	sld [smem:$0x3F9C];
	_ =	swait.ge [sflag:s4], $0x0  }
0x19: {  	s7 =	sld [smem:$0x3F9D]  }
0x1a: {  	s8 =	sadd.s32 $0xFFFFE003, lr  }
0x1b: {  	s9 =	sadd.s32 $0xFFFFFEF7, lr;
	s5 =	simm.s32 $0xFFFFFFFF;
	p2 =	slt.u32 s8, $0xFFFFF086  }
0x1c: {  	p1 =	slt.u32 s9, $0xF7A;
	s5 =	simm.s32 @!p2 $0x0  }
0x1d: {  	s5 =	simm.s32 @p1 $0x1;
	p0 =	seq.s32 s7, s2  }
0x1e: {  	s7 =	smul.u32 @!p0 $0xF7A, s2;
	p2 =	seq.s32 @!p0 s5, $0x0  }
0x1f: {  	s9 =	smul.u32 $0xF7A, s1;
	s8 =	simm.s32 @!p0 $0x1BF5;
	p2 =	por !p2, p0  }
0x20: {  	[sflag:s8] =	ssyncset.s32 @!p0 $0xFFFFF086;
	s6 =	sadd.s32 @!p0 s3, s7;
	s7 =	simm.s32 @!p0 $0x108  }
0x21: {  	s3 =	sadd.s32 s3, s9;
	s6 =	sadd.s32 @!p0 $0x88, s6;
	s7 =	simm.s32 @p2 $0x1082  }
0x22: {  	[simem:s7], [sflag:s8] =	dma.local @!p0 [hbm:s6], $0xF7A  }
0x23: {  	s9 =	sor.u32 $0xD0000000, s2;
	s6 =	simm.s32 $0x108;
	_ =	swait.ge @!p0 [sflag:s8], $0x0  }
0x24: {  	s3 =	sadd.s32 $0x88, s3;
	s6 =	simm.s32 @!p1 $0x1082;
	[sflag:s4] =	ssyncset.s32 $0xFFFFF086  }
0x25: {  	[simem:s6], [sflag:s4] =	dma.local [hbm:s3], $0xF7A  }
0x26: {  	[smem:$0x3F9D] =	sst s1;
	(tag) =	ssettag s2;
	_ =	strace s9  }
0x27: {  	s1 =	sld [smem:$0x3FAD]  }
0x28: {  	s2 =	sld [smem:$0x3FAE]  }
0x29: {  	s4 =	sld [smem:$0x3FB0]  }
0x2a: {  	p0 =	seq.s32 s5, $0x0;
	s5 =	sld [smem:$0x3FB1]  }
0x2b: {  	s6 =	sld [smem:$0x3FB2]  }
0x2c: {  	s7 =	sld [smem:$0x3FB3]  }
0x2d: {  	s3 =	simm.s32 $0x108;
	s8 =	sld [smem:$0x3FB4]  }
0x2e: {  	s3 =	simm.s32 @!p0 $0x1082;
	s9 =	sld [smem:$0x3FB5]  }
0x2f: {  	lr =	sadd.s32 s0, s3;
	s0 =	sld [smem:$0x3FAC]  }
0x30: {  	s3 =	sld [smem:$0x3FAF]  }
0x31: {  	[smem:$0x3FB8] =	sst s10  }
0x32: {  	s10 =	sld [smem:$0x3FB6];
	_ =	sdelay $0x3  }
0x33: {  	p0 =	seq.s32 s10, $0x1;
	s10 =	sld [smem:$0x3FB8];
	_ =	sdelay $0x3  }
0x34: {  	[smem:$0x3FB8] =	sst s10  }
0x35: {  	s10 =	sld [smem:$0x3FB7];
	_ =	sdelay $0x3  }
0x36: {  	p1 =	seq.s32 s10, $0x1;
	s10 =	sld [smem:$0x3FB8];
	_ =	sdelay $0x3  }
0x37: {  	[smem:$0x3FB8] =	sst s10  }
0x38: {  	s10 =	sld [smem:$0x3FB9]  }
0x39: {  	_ = 	snop;
	(pc) =	sbr.ind lr, $3  }
0x3a: {  	_ = 	snop  }
0x3b: {  	_ = 	snop  }
0x3c: {  	p2 =	seq.s32 s10, $0x1;
	s10 =	sld [smem:$0x3FB8]  }
0x3d: {  	_ =	shalt  }
0x3e: {  	_ =	shalt  }
0x3f: {  	_ =	shalt  }
0x40: {  	_ =	shalt  }
0x41: {  	_ =	shalt  }
0x42: {  	_ =	shalt  }
0x43: {  	_ =	shalt  }
0x44: {  	_ =	shalt  }
0x45: {  	_ =	shalt  }
0x46: {  	_ =	shalt  }
0x47: {  	_ =	shalt  }
0x48: {  	_ =	shalt  }
0x49: {  	_ =	shalt  }
0x4a: {  	_ =	shalt  }
0x4b: {  	_ =	shalt  }
0x4c: {  	_ =	shalt  }
0x4d: {  	_ =	shalt  }
0x4e: {  	_ =	shalt  }
0x4f: {  	_ =	shalt  }
0x50: {  	_ =	shalt  }
0x51: {  	_ =	shalt  }
0x52: {  	_ =	shalt  }
0x53: {  	_ =	shalt  }
0x54: {  	_ =	shalt  }
0x55: {  	_ =	shalt  }
0x56: {  	_ =	shalt  }
0x57: {  	_ =	shalt  }
0x58: {  	_ =	shalt  }
0x59: {  	_ =	shalt  }
0x5a: {  	_ =	shalt  }
0x5b: {  	_ =	shalt  }
0x5c: {  	_ =	shalt  }
0x5d: {  	_ =	shalt  }
0x5e: {  	_ =	shalt  }
0x5f: {  	_ =	shalt  }
0x60: {  	_ =	shalt  }
0x61: {  	_ =	shalt  }
0x62: {  	_ =	shalt  }
0x63: {  	_ =	shalt  }
0x64: {  	_ =	shalt  }
0x65: {  	_ =	shalt  }
0x66: {  	_ =	shalt  }
0x67: {  	_ =	shalt  }
0x68: {  	_ =	shalt  }
0x69: {  	_ =	shalt  }
0x6a: {  	_ =	shalt  }
0x6b: {  	_ =	shalt  }
0x6c: {  	_ =	shalt  }
0x6d: {  	_ =	shalt  }
0x6e: {  	_ =	shalt  }
0x6f: {  	_ =	shalt  }
0x70: {  	_ =	shalt  }
0x71: {  	_ =	shalt  }
0x72: {  	_ =	shalt  }
0x73: {  	_ =	shalt  }
0x74: {  	_ =	shalt  }
0x75: {  	_ =	shalt  }
0x76: {  	_ =	shalt  }
0x77: {  	_ =	shalt  }
0x78: {  	_ =	shalt  }
0x79: {  	_ =	shalt  }
0x7a: {  	_ =	shalt  }
0x7b: {  	_ =	shalt  }
0x7c: {  	_ =	shalt  }
0x7d: {  	_ =	shalt  }
0x7e: {  	_ =	shalt  }
0x7f: {  	_ =	shalt  }
0x80: {  	_ =	shalt  }
0x81: {  	_ =	shalt  }
0x82: {  	_ =	shalt  }
0x83: {  	_ =	shalt  }
0x84: {  	_ =	shalt  }
0x85: {  	_ =	shalt  }
0x86: {  	_ =	shalt  }
0x87: {  	_ =	shalt  }
.Lfunc_end0:
.L_simem_size_0:
called_computation_lowered:
.L_overlay_start_0:
0x88: {  	s2 =	sld [smem:$0x3FD9]  }
0x89: {  	s3 =	sld [smem:$0x3FFE];
	_ =	sdelay $0x1  }
0x8a: {  	s1 =	srdreg.scid  }
0x8b: {  	s0 =	sand.u32 $0x1, s1  }
0x8c: {  	s17 =	sshll.u32 s0, $0xA;
	s2 =	sadd.s32 s3, s2  }
0x8d: {  	s2 =	sadd.s32 s2, s17  }
0x8e: {  	[smem:$0x3FC4] =	sst s2  }
0x8f: {  	_ = 	snop  }
0x90: {  	s2 =	sld [smem:$0x3FC9]  }
0x91: {  	s18 =	sld [smem:$0x3FC8];
	(tm) =	ssettm $0x1  }
0x92: {  	s4 =	sld [smem:$0x3FFB];
	_ =	sdelay $0x3  }
0x93: {  	_ =	strace s4  }
0x94: {  	s4 =	sld [smem:$0x3FFC];
	_ =	sdelay $0x3  }
0x95: {  	_ =	strace s4  }
0x96: {  	s4 =	sld [smem:$0x3FFD];
	_ =	sdelay $0x3  }
0x97: {  	_ =	strace s4  }
0x98: {  	_ =	strace $0x8FFFFFFF  }
0x99: {  	s19 =	sld [smem:$0x3FDB];
	_ =	sdelay $0x1  }
0x9a: {  	s5 =	simm.s32 $_scs_section_size  }
0x9b: {  	s6 =	simm.s32 $_size__tile_overlayer_lowered;
	s7 =	simm.s32 $_tile_overlayer_lowered  }
0x9c: {  	s22 =	simm.s32 $0x1BFF;
	s21 =	sshll.u32 s7, $0x1;
	s4 =	sadd.s32 s5, s19  }
0x9d: {  	s8 =	simm.s32 $0x0;
	s20 =	sshll.u32 s6, $0x1;
	s6 =	sadd.s32 s21, s4  }
0x9e: {  	[timem:s8], [sflag:s22] =	dma.local [hbm:s6], s20  }
0x9f: {  	_ =	swait.ge [sflag:s22], s20  }
0xa0: {  	s5 =	ssub.s32 $0x0, s20;
	[sflag:s22] =	ssyncset.done $0x0  }
0xa1: {  	[sflag:s22] =	ssyncadd.s32 s5;
	_ =	sdelay $0x1  }
0xa2: {  	s23 =	simm.s32 $0x1B8B  }
0xa3: {  	_ =	swait.ge [sflag:s23], $0x1  }
0xa4: {  	[sflag:s23] =	ssyncset.done $0x0  }
0xa5: {  	s25 =	simm.s32 $0x1B8E;
	s24 =	sld [smem:$0x3FFE];
	[sflag:s23] =	ssyncadd.s32 $0xFFFFFFFF  }
0xa6: {  	s26 =	simm.s32 $execute0_lowered;
	[smem:$0x3FD2] =	sst s25  }
0xa7: {  	s6 =	sshll.u32 s26, $0x1;
	_ =	strace $0x80000046;
	[dreg:$0x1] =	wrdreg $0xFFFFFFFF  }
0xa8: {  	s28 =	simm.s32 $_size_execute0_lowered;
	s4 =	sadd.s32 s4, s6;
	[dreg:$0x0] =	wrdreg $0x0  }
0xa9: {  	s6 =	sshll.u32 s28, $0x1;
	[dreg:$0x2] =	wrdreg s4  }
0xaa: {  	[dreg:$0x3] =	wrdreg s6  }
0xab: {  	[dreg:$0x4] =	wrdreg $0xC0  }
0xac: {  	_ =	task [dreg:s8], $0x5FFFF  }
0xad: {  	[dreg:$0x1] =	wrdreg $0xFFFFFFFF  }
0xae: {  	[dreg:$0x0] =	wrdreg $0x60  }
0xaf: {  	[dreg:$0x2] =	wrdreg s2  }
0xb0: {  	[dreg:$0x3] =	wrdreg s18  }
0xb1: {  	[dreg:$0x4] =	wrdreg s24  }
0xb2: {  	[dreg:$0x5] =	wrdreg $0x9  }
0xb3: {  	_ =	task.clear_ibuf [dreg:s8], $0x6FFFF;
	_ =	strace $0x90000046  }
0xb4: {  	s29 =	simm.s32 $0x9;
	_ =	strace $0x80000048  }
0xb5: {  	_ =	swait.ge [sflag:s29], $0x1  }
0xb6: {  	[sflag:s29] =	ssyncadd.s32 $0xFFFFFFFF  }
0xb7: {  	_ =	strace $0x90000048  }
0xb8: {  	_ =	sfence  }
0xb9: {  	s30 =	sld [smem:$0x0];
	_ =	sdelay $0x2  }
0xba: {  	s31 =	sshll.u32 s1, $0xD;
	s1 =	sshrl.u32 s1, $0x2  }
0xbb: {  	s3 =	sand.u32 $0x4000, s31;
	s1 =	sadd.s32 s1, s30  }
0xbc: {  	s0 =	sor.u32 s3, s0;
	s1 =	sshll.u32 s1, $0x11  }
0xbd: {  	s0 =	sor.u32 s1, s0  }
0xbe: {  	s0 =	sadd.s32 $0x8F2B, s0  }
0xbf: {  	[sflag:s0] =	ssyncadd.remote.s32 $0x1  }
0xc0: {  	_ =	sfence.sel $0xFFFF  }
0xc1: {  	[dreg:$0x0] =	wrdreg $0xFFFFFFFF;
	(pc) =	sbr.abs _section_cstart, $3  }
0xc2: {  	[dreg:$0x1] =	wrdreg $0xFFFFFFFF  }
0xc3: {  	_ =	task.clear_ibuf [dreg:s8], $0x2FFFF;
	_ =	strace $0x9FFFFFFF  }
0xc4: {  	(tm) =	ssettm $0x7FFFFFFF  }
0xc5: {  	_ =	shalt  }
tec
execute0_lowered:
.L_overlay_start_1:
0x0: {  	(tag) =	ssettag $0x1  }
0x1: {  	s0 =	rddreg [dreg:$0x0]  }
0x2: {  	s1 =	rddreg [dreg:$0x1]  }
0x3: {  	s5 =	rddreg [dreg:$0x2];
	s2 =	simm.s32 $0x0;
	s4 =	srdreg.scid  }
0x4: {  	s7 =	stileid.u32;
	s30 =	simm.s32 $0x200;
	s31 =	simm.s32 $0x280  }
0x5: {  	p0 =	por $0x0, $0x0;
	[smem:$0x7FF] =	sst s2;
	s3 =	sadd.s32 $0xF43400, s5  }
0x6: {  	s6 =	sand.u32 $0x1, s4;
	s4 =	sadd.s32 $0x187A00, s5;
	s7 =	sshll.u32 s7, $0xA  }
0x7: {  	s10 =	sadd.s32 $0x1000, s5;
	s8 =	sshll.u32 s6, $0x9;
	s6 =	ssub.s32 $0x2, s6  }
0x8: {  	s5 =	sadd.s32 $0x21000, s5;
	s7 =	sor.u32 s8, s7;
	s21 =	sshrl.u32 s6, $0x1  }
0x9: {  	_ =	strace $0x80000047;
	s9 =	sshrl.u32 s7, $0x3;
	s11 =	ssub.s32 s6, s21  }
0xa: {  	s23 =	sor.u32 $0x80, s7;
	s12 =	sor.u32 $0x100, s7;
	s18 =	sshll.u32 s7, $0x3  }
0xb: {  	s22 =	sadd.s32 s0, s9;
	s24 =	sadd.s32 s1, s9;
	s25 =	sshrl.u32 s23, $0x3  }
0xc: {  	s14 =	sshrl.u32 s12, $0x3;
	s19 =	sshll.u32 s23, $0x3;
	s20 =	sshll.u32 s12, $0x3  }
0xd: {  	s23 =	smax.u32 s11, $0x1;
	s11 =	simm.s32 $0x2400;
	[dreg:$0x4] =	wrdreg s22  }
0xe: {  	[dreg:$0x5] =	wrdreg s24;
	s26 =	sadd.s32 s0, s25;
	s13 =	sadd.s32 s1, s25  }
0xf: {  	s15 =	sadd.s32 s0, s14;
	s16 =	sadd.s32 s1, s14;
	s24 =	sadd.s32 s10, s18  }
0x10: {  	s22 =	sadd.s32 s5, s18;
	s12 =	sadd.s32 s5, s19;
	s9 =	sadd.s32 s10, s20  }
0x11: {  	s8 =	sadd.s32 s5, s20;
	s18 =	simm.s32 $0x80;
	[dreg:$0x6] =	wrdreg s26  }
0x12: {  	s25 =	simm.s32 $0x100;
	s20 =	simm.s32 $0x380;
	[dreg:$0x7] =	wrdreg s13  }
0x13: {  	p1 =	sne.s32 s23, $0x1;
	s14 =	simm.s32 $0x4;
	[dreg:$0x8] =	wrdreg s15  }
0x14: {  	s13 =	sor.u32 $0x180, s7;
	[dreg:$0x9] =	wrdreg s16;
	s15 =	sadd.s32 s10, s19  }
0x15: {  	s26 =	simm.s32 $0x300;
	s19 =	simm.s32 $0x180;
	s16 =	simm.s32 $0x3  }
.Ltmp0:
0x16: {  	s17 =	sshrl.u32 s13, $0x3;
	s21 =	sshll.u32 s13, $0x3;
	(pc) =	sbr.rel @!p1 .LBB2_3-.Ltmp0, $4  }
0x17: {  	s13 =	simm.s32 $0x4400;
	s29 =	sadd.s32 s0, s17;
	s28 =	sadd.s32 s1, s17  }
0x18: {  	s7 =	sadd.s32 s10, s21;
	s6 =	sadd.s32 s5, s21;
	s5 =	simm.s32 $0x5  }
0x19: {  	s17 =	simm.s32 $0x400;
	s0 =	sadd.s32 $0xFFFFFFFF, s23;
	s10 =	simm.s32 $0x6400  }
0x1a: {  	s23 =	simm.s32 $0x1;
	s21 =	simm.s32 $0x2;
	s1 =	rddreg [dreg:$0x4]  }
0x1b: {  	[tilespmem:s2], [sflag:$0x5] =	stream.linear.gather [hbm4b:s1+s2], $0x80, $0x38;
	[tilespmem:$0x8400] =	vst v63  }
0x1c: {  	_ =	swait.ge [sflag:s5], $0x80  }
0x1d: {  	[sflag:s5] =	ssyncset.done $0x0  }
0x1e: {  	s1 =	rddreg [dreg:$0x5];
	[sflag:s5] =	ssyncadd.s32 $0xFFFFFF80  }
0x1f: {  	[tilespmem:s30], [sflag:$0x5] =	stream.linear.gather [hbm4b:s1+s2], $0x80, $0x38;
	[tilespmem:$0x8400] =	vst v63  }
0x20: {  	_ =	swait.ge [sflag:s5], $0x80  }
0x21: {  	[sflag:s5] =	ssyncset.done $0x0  }
0x22: {  	s1 =	rddreg [dreg:$0x6];
	[sflag:s5] =	ssyncadd.s32 $0xFFFFFF80  }
0x23: {  	[tilespmem:s18], [sflag:$0x5] =	stream.linear.gather [hbm4b:s1+s2], $0x80, $0x38;
	[tilespmem:$0x8400] =	vst v63  }
0x24: {  	_ =	swait.ge [sflag:s5], $0x80  }
0x25: {  	[sflag:s5] =	ssyncset.done $0x0  }
0x26: {  	s1 =	rddreg [dreg:$0x7];
	[sflag:s5] =	ssyncadd.s32 $0xFFFFFF80  }
0x27: {  	[tilespmem:s31], [sflag:$0x5] =	stream.linear.gather [hbm4b:s1+s2], $0x80, $0x38;
	[tilespmem:$0x8400] =	vst v63  }
0x28: {  	_ =	swait.ge [sflag:s5], $0x80  }
0x29: {  	[sflag:s5] =	ssyncset.done $0x0  }
0x2a: {  	s1 =	rddreg [dreg:$0x8];
	[sflag:s5] =	ssyncadd.s32 $0xFFFFFF80  }
0x2b: {  	[tilespmem:s25], [sflag:$0x5] =	stream.linear.gather [hbm4b:s1+s2], $0x80, $0x38;
	[tilespmem:$0x8400] =	vst v63  }
0x2c: {  	_ =	swait.ge [sflag:s5], $0x80  }
0x2d: {  	[sflag:s5] =	ssyncset.done $0x0  }
0x2e: {  	s1 =	rddreg [dreg:$0x9];
	[sflag:s5] =	ssyncadd.s32 $0xFFFFFF80  }
0x2f: {  	[tilespmem:s26], [sflag:$0x5] =	stream.linear.gather [hbm4b:s1+s2], $0x80, $0x38;
	[tilespmem:$0x8400] =	vst v63  }
0x30: {  	_ =	swait.ge [sflag:s5], $0x80  }
0x31: {  	[sflag:s5] =	ssyncset.done $0x0  }
0x32: {  	[sflag:s5] =	ssyncadd.s32 $0xFFFFFF80  }
0x33: {  	[tilespmem:s19], [sflag:$0x5] =	stream.linear.gather [hbm4b:s29+s2], $0x80, $0x38;
	[tilespmem:$0x8400] =	vst v63  }
0x34: {  	_ =	swait.ge [sflag:s5], $0x80  }
0x35: {  	[sflag:s5] =	ssyncset.done $0x0  }
0x36: {  	[sflag:s5] =	ssyncadd.s32 $0xFFFFFF80  }
0x37: {  	[tilespmem:s20], [sflag:$0x5] =	stream.linear.gather [hbm4b:s28+s2], $0x80, $0x38;
	[tilespmem:$0x8400] =	vst v63  }
0x38: {  	_ =	swait.ge [sflag:s5], $0x80  }
0x39: {  	[sflag:s5] =	ssyncset.done $0x0  }
0x3a: {  	[sflag:s5] =	ssyncadd.s32 $0xFFFFFF80  }
0x3b: {  	[tilespmem:s17], [sflag:$0x1] =	stream.indirect.gather [hbm4b:s3+s18], $0x40, s2, s18, $0xb8;
	[tilespmem:$0x8400] =	vst v63  }
0x3c: {  	_ = 	snop  }
0x3d: {  	[tilespmem:s13], [sflag:$0x2] =	stream.indirect.gather [hbm4b:s4+s18], $0x40, s30, s18, $0xb8;
	[tilespmem:$0x8400] =	vst v63  }
0x3e: {  	_ = 	snop  }
0x3f: {  	[tilespmem:s11], [sflag:$0x3] =	stream.indirect.gather [hbm4b:s3+s18], $0x40, s18, s18, $0xb8;
	[tilespmem:$0x8400] =	vst v63  }
0x40: {  	_ = 	snop  }
0x41: {  	[tilespmem:s10], [sflag:$0x4] =	stream.indirect.gather [hbm4b:s4+s18], $0x40, s31, s18, $0xb8;
	[tilespmem:$0x8400] =	vst v63  }
0x42: {  	_ =	swait.ge [sflag:s23], $0x2000  }
0x43: {  	[sflag:s23] =	ssyncset.done $0x0  }
0x44: {  	[sflag:s23] =	ssyncadd.s32 $0xFFFFE000  }
0x45: {  	_ =	swait.ge [sflag:s21], $0x2000  }
0x46: {  	[sflag:s21] =	ssyncset.done $0x0  }
0x47: {  	[sflag:s21] =	ssyncadd.s32 $0xFFFFE000  }
0x48: {  	[hbm4b:s24+s2] =	stream.linear.scatter [tilespmem:s17], [sflag:$0x5], $0x2000, $0x38;
	[tilespmem:$0x8400] =	vst v63  }
0x49: {  	_ =	swait.ge [sflag:s5], $0x2000  }
0x4a: {  	[sflag:s5] =	ssyncset.done $0x0  }
0x4b: {  	[sflag:s5] =	ssyncadd.s32 $0xFFFFE000  }
0x4c: {  	[hbm4b:s22+s2] =	stream.linear.scatter [tilespmem:s13], [sflag:$0x5], $0x2000, $0x38;
	[tilespmem:$0x8400] =	vst v63  }
0x4d: {  	_ =	swait.ge [sflag:s5], $0x2000  }
0x4e: {  	[sflag:s5] =	ssyncset.done $0x0  }
0x4f: {  	[sflag:s5] =	ssyncadd.s32 $0xFFFFE000  }
0x50: {  	[tilespmem:s17], [sflag:$0x1] =	stream.indirect.gather [hbm4b:s3+s18], $0x40, s25, s18, $0xb8;
	[tilespmem:$0x8400] =	vst v63  }
0x51: {  	_ = 	snop  }
0x52: {  	[tilespmem:s13], [sflag:$0x2] =	stream.indirect.gather [hbm4b:s4+s18], $0x40, s26, s18, $0xb8;
	[tilespmem:$0x8400] =	vst v63  }
0x53: {  	_ =	swait.ge [sflag:s16], $0x2000  }
0x54: {  	[sflag:s16] =	ssyncset.done $0x0  }
0x55: {  	[sflag:s16] =	ssyncadd.s32 $0xFFFFE000  }
0x56: {  	_ =	swait.ge [sflag:s14], $0x2000  }
0x57: {  	[sflag:s14] =	ssyncset.done $0x0  }
0x58: {  	[sflag:s14] =	ssyncadd.s32 $0xFFFFE000  }
0x59: {  	[hbm4b:s15+s2] =	stream.linear.scatter [tilespmem:s11], [sflag:$0x5], $0x2000, $0x38;
	[tilespmem:$0x8400] =	vst v63  }
0x5a: {  	_ =	swait.ge [sflag:s5], $0x2000  }
0x5b: {  	[sflag:s5] =	ssyncset.done $0x0  }
0x5c: {  	[sflag:s5] =	ssyncadd.s32 $0xFFFFE000  }
0x5d: {  	[hbm4b:s12+s2] =	stream.linear.scatter [tilespmem:s10], [sflag:$0x5], $0x2000, $0x38;
	[tilespmem:$0x8400] =	vst v63  }
0x5e: {  	_ =	swait.ge [sflag:s5], $0x2000  }
0x5f: {  	[sflag:s5] =	ssyncset.done $0x0  }
0x60: {  	[sflag:s5] =	ssyncadd.s32 $0xFFFFE000  }
0x61: {  	[tilespmem:s11], [sflag:$0x3] =	stream.indirect.gather [hbm4b:s3+s18], $0x40, s19, s18, $0xb8;
	[tilespmem:$0x8400] =	vst v63  }
0x62: {  	_ = 	snop  }
0x63: {  	[tilespmem:s10], [sflag:$0x4] =	stream.indirect.gather [hbm4b:s4+s18], $0x40, s20, s18, $0xb8;
	[tilespmem:$0x8400] =	vst v63  }
0x64: {  	_ =	swait.ge [sflag:s23], $0x2000  }
0x65: {  	[sflag:s23] =	ssyncset.done $0x0  }
0x66: {  	[sflag:s23] =	ssyncadd.s32 $0xFFFFE000  }
0x67: {  	_ =	swait.ge [sflag:s21], $0x2000  }
0x68: {  	[sflag:s21] =	ssyncset.done $0x0  }
0x69: {  	[sflag:s21] =	ssyncadd.s32 $0xFFFFE000  }
0x6a: {  	[hbm4b:s9+s2] =	stream.linear.scatter [tilespmem:s17], [sflag:$0x5], $0x2000, $0x38;
	[tilespmem:$0x8400] =	vst v63  }
0x6b: {  	_ =	swait.ge [sflag:s5], $0x2000  }
0x6c: {  	[sflag:s5] =	ssyncset.done $0x0  }
0x6d: {  	[sflag:s5] =	ssyncadd.s32 $0xFFFFE000  }
0x6e: {  	[hbm4b:s8+s2] =	stream.linear.scatter [tilespmem:s13], [sflag:$0x5], $0x2000, $0x38;
	[tilespmem:$0x8400] =	vst v63  }
0x6f: {  	_ =	swait.ge [sflag:s5], $0x2000  }
0x70: {  	[sflag:s5] =	ssyncset.done $0x0  }
0x71: {  	[sflag:s5] =	ssyncadd.s32 $0xFFFFE000  }
0x72: {  	_ =	swait.ge [sflag:s16], $0x2000  }
0x73: {  	[sflag:s16] =	ssyncset.done $0x0  }
0x74: {  	[sflag:s16] =	ssyncadd.s32 $0xFFFFE000  }
0x75: {  	_ =	swait.ge [sflag:s14], $0x2000  }
0x76: {  	[sflag:s14] =	ssyncset.done $0x0  }
0x77: {  	[sflag:s14] =	ssyncadd.s32 $0xFFFFE000  }
0x78: {  	[hbm4b:s7+s2] =	stream.linear.scatter [tilespmem:s11], [sflag:$0x5], $0x2000, $0x38;
	[tilespmem:$0x8400] =	vst v63  }
0x79: {  	p1 =	sne.s32 s0, $0x1;
	_ =	swait.ge [sflag:s5], $0x2000  }
.Ltmp1:
0x7a: {  	[sflag:s5] =	ssyncset.done $0x0;
	(pc) =	sbr.rel @!p1 .LBB2_3-.Ltmp1, $4  }
0x7b: {  	[sflag:s5] =	ssyncadd.s32 $0xFFFFE000  }
0x7c: {  	[hbm4b:s6+s2] =	stream.linear.scatter [tilespmem:s10], [sflag:$0x5], $0x2000, $0x38;
	[tilespmem:$0x8400] =	vst v63  }
0x7d: {  	s0 =	sadd.s32 $0xFFFFFFFF, s0;
	_ =	swait.ge [sflag:s5], $0x2000  }
0x7e: {  	p0 =	por $0x1, $0x1;
	s1 =	rddreg [dreg:$0x4];
	[sflag:s5] =	ssyncset.done $0x0  }
.LBB2_2:
0x7f: {  	[sflag:s5] =	ssyncadd.s32 $0xFFFFE000  }
0x80: {  	[tilespmem:s2], [sflag:$0x5] =	stream.linear.gather [hbm4b:s1+s2], $0x80, $0x38;
	[tilespmem:$0x8400] =	vst v63  }
0x81: {  	_ =	swait.ge [sflag:s5], $0x80  }
0x82: {  	[sflag:s5] =	ssyncset.done $0x0  }
0x83: {  	s1 =	rddreg [dreg:$0x5];
	[sflag:s5] =	ssyncadd.s32 $0xFFFFFF80  }
0x84: {  	[tilespmem:s30], [sflag:$0x5] =	stream.linear.gather [hbm4b:s1+s2], $0x80, $0x38;
	[tilespmem:$0x8400] =	vst v63  }
0x85: {  	_ =	swait.ge [sflag:s5], $0x80  }
0x86: {  	[sflag:s5] =	ssyncset.done $0x0  }
0x87: {  	s1 =	rddreg [dreg:$0x6];
	[sflag:s5] =	ssyncadd.s32 $0xFFFFFF80  }
0x88: {  	[tilespmem:s18], [sflag:$0x5] =	stream.linear.gather [hbm4b:s1+s2], $0x80, $0x38;
	[tilespmem:$0x8400] =	vst v63  }
0x89: {  	_ =	swait.ge [sflag:s5], $0x80  }
0x8a: {  	[sflag:s5] =	ssyncset.done $0x0  }
0x8b: {  	s1 =	rddreg [dreg:$0x7];
	[sflag:s5] =	ssyncadd.s32 $0xFFFFFF80  }
0x8c: {  	[tilespmem:s31], [sflag:$0x5] =	stream.linear.gather [hbm4b:s1+s2], $0x80, $0x38;
	[tilespmem:$0x8400] =	vst v63  }
0x8d: {  	_ =	swait.ge [sflag:s5], $0x80  }
0x8e: {  	[sflag:s5] =	ssyncset.done $0x0  }
0x8f: {  	s1 =	rddreg [dreg:$0x8];
	[sflag:s5] =	ssyncadd.s32 $0xFFFFFF80  }
0x90: {  	[tilespmem:s25], [sflag:$0x5] =	stream.linear.gather [hbm4b:s1+s2], $0x80, $0x38;
	[tilespmem:$0x8400] =	vst v63  }
0x91: {  	_ =	swait.ge [sflag:s5], $0x80  }
0x92: {  	[sflag:s5] =	ssyncset.done $0x0  }
0x93: {  	s1 =	rddreg [dreg:$0x9];
	[sflag:s5] =	ssyncadd.s32 $0xFFFFFF80  }
0x94: {  	[tilespmem:s26], [sflag:$0x5] =	stream.linear.gather [hbm4b:s1+s2], $0x80, $0x38;
	[tilespmem:$0x8400] =	vst v63  }
0x95: {  	_ =	swait.ge [sflag:s5], $0x80  }
0x96: {  	[sflag:s5] =	ssyncset.done $0x0  }
0x97: {  	[sflag:s5] =	ssyncadd.s32 $0xFFFFFF80  }
0x98: {  	[tilespmem:s19], [sflag:$0x5] =	stream.linear.gather [hbm4b:s29+s2], $0x80, $0x38;
	[tilespmem:$0x8400] =	vst v63  }
0x99: {  	_ =	swait.ge [sflag:s5], $0x80  }
0x9a: {  	[sflag:s5] =	ssyncset.done $0x0  }
0x9b: {  	[sflag:s5] =	ssyncadd.s32 $0xFFFFFF80  }
0x9c: {  	[tilespmem:s20], [sflag:$0x5] =	stream.linear.gather [hbm4b:s28+s2], $0x80, $0x38;
	[tilespmem:$0x8400] =	vst v63  }
0x9d: {  	_ =	swait.ge [sflag:s5], $0x80  }
0x9e: {  	[sflag:s5] =	ssyncset.done $0x0  }
0x9f: {  	[sflag:s5] =	ssyncadd.s32 $0xFFFFFF80  }
0xa0: {  	[tilespmem:s17], [sflag:$0x1] =	stream.indirect.gather [hbm4b:s3+s18], $0x40, s2, s18, $0xb8;
	[tilespmem:$0x8400] =	vst v63  }
0xa1: {  	_ = 	snop  }
0xa2: {  	[tilespmem:s13], [sflag:$0x2] =	stream.indirect.gather [hbm4b:s4+s18], $0x40, s30, s18, $0xb8;
	[tilespmem:$0x8400] =	vst v63  }
0xa3: {  	_ = 	snop  }
0xa4: {  	[tilespmem:s11], [sflag:$0x3] =	stream.indirect.gather [hbm4b:s3+s18], $0x40, s18, s18, $0xb8;
	[tilespmem:$0x8400] =	vst v63  }
0xa5: {  	_ = 	snop  }
0xa6: {  	[tilespmem:s10], [sflag:$0x4] =	stream.indirect.gather [hbm4b:s4+s18], $0x40, s31, s18, $0xb8;
	[tilespmem:$0x8400] =	vst v63  }
0xa7: {  	_ =	swait.ge [sflag:s23], $0x2000  }
0xa8: {  	[sflag:s23] =	ssyncset.done $0x0  }
0xa9: {  	[sflag:s23] =	ssyncadd.s32 $0xFFFFE000  }
0xaa: {  	_ =	swait.ge [sflag:s21], $0x2000  }
0xab: {  	[sflag:s21] =	ssyncset.done $0x0  }
0xac: {  	[sflag:s21] =	ssyncadd.s32 $0xFFFFE000  }
0xad: {  	[hbm4b:s24+s2] =	stream.linear.scatter [tilespmem:s17], [sflag:$0x5], $0x2000, $0x38;
	[tilespmem:$0x8400] =	vst v63  }
0xae: {  	_ =	swait.ge [sflag:s5], $0x2000  }
0xaf: {  	[sflag:s5] =	ssyncset.done $0x0  }
0xb0: {  	[sflag:s5] =	ssyncadd.s32 $0xFFFFE000  }
0xb1: {  	[hbm4b:s22+s2] =	stream.linear.scatter [tilespmem:s13], [sflag:$0x5], $0x2000, $0x38;
	[tilespmem:$0x8400] =	vst v63  }
0xb2: {  	_ =	swait.ge [sflag:s5], $0x2000  }
0xb3: {  	[sflag:s5] =	ssyncset.done $0x0  }
0xb4: {  	[sflag:s5] =	ssyncadd.s32 $0xFFFFE000  }
0xb5: {  	[tilespmem:s17], [sflag:$0x1] =	stream.indirect.gather [hbm4b:s3+s18], $0x40, s25, s18, $0xb8;
	[tilespmem:$0x8400] =	vst v63  }
0xb6: {  	_ = 	snop  }
0xb7: {  	[tilespmem:s13], [sflag:$0x2] =	stream.indirect.gather [hbm4b:s4+s18], $0x40, s26, s18, $0xb8;
	[tilespmem:$0x8400] =	vst v63  }
0xb8: {  	_ =	swait.ge [sflag:s16], $0x2000  }
0xb9: {  	[sflag:s16] =	ssyncset.done $0x0  }
0xba: {  	[sflag:s16] =	ssyncadd.s32 $0xFFFFE000  }
0xbb: {  	_ =	swait.ge [sflag:s14], $0x2000  }
0xbc: {  	[sflag:s14] =	ssyncset.done $0x0  }
0xbd: {  	[sflag:s14] =	ssyncadd.s32 $0xFFFFE000  }
0xbe: {  	[hbm4b:s15+s2] =	stream.linear.scatter [tilespmem:s11], [sflag:$0x5], $0x2000, $0x38;
	[tilespmem:$0x8400] =	vst v63  }
0xbf: {  	_ =	swait.ge [sflag:s5], $0x2000  }
0xc0: {  	[sflag:s5] =	ssyncset.done $0x0  }
0xc1: {  	[sflag:s5] =	ssyncadd.s32 $0xFFFFE000  }
0xc2: {  	[hbm4b:s12+s2] =	stream.linear.scatter [tilespmem:s10], [sflag:$0x5], $0x2000, $0x38;
	[tilespmem:$0x8400] =	vst v63  }
0xc3: {  	_ =	swait.ge [sflag:s5], $0x2000  }
0xc4: {  	[sflag:s5] =	ssyncset.done $0x0  }
0xc5: {  	[sflag:s5] =	ssyncadd.s32 $0xFFFFE000  }
0xc6: {  	[tilespmem:s11], [sflag:$0x3] =	stream.indirect.gather [hbm4b:s3+s18], $0x40, s19, s18, $0xb8;
	[tilespmem:$0x8400] =	vst v63  }
0xc7: {  	_ = 	snop  }
0xc8: {  	[tilespmem:s10], [sflag:$0x4] =	stream.indirect.gather [hbm4b:s4+s18], $0x40, s20, s18, $0xb8;
	[tilespmem:$0x8400] =	vst v63  }
0xc9: {  	_ =	swait.ge [sflag:s23], $0x2000  }
0xca: {  	[sflag:s23] =	ssyncset.done $0x0  }
0xcb: {  	[sflag:s23] =	ssyncadd.s32 $0xFFFFE000  }
0xcc: {  	_ =	swait.ge [sflag:s21], $0x2000  }
0xcd: {  	[sflag:s21] =	ssyncset.done $0x0  }
0xce: {  	[sflag:s21] =	ssyncadd.s32 $0xFFFFE000  }
0xcf: {  	[hbm4b:s9+s2] =	stream.linear.scatter [tilespmem:s17], [sflag:$0x5], $0x2000, $0x38;
	[tilespmem:$0x8400] =	vst v63  }
0xd0: {  	_ =	swait.ge [sflag:s5], $0x2000  }
0xd1: {  	[sflag:s5] =	ssyncset.done $0x0  }
0xd2: {  	[sflag:s5] =	ssyncadd.s32 $0xFFFFE000  }
0xd3: {  	[hbm4b:s8+s2] =	stream.linear.scatter [tilespmem:s13], [sflag:$0x5], $0x2000, $0x38;
	[tilespmem:$0x8400] =	vst v63  }
0xd4: {  	_ =	swait.ge [sflag:s5], $0x2000  }
0xd5: {  	[sflag:s5] =	ssyncset.done $0x0  }
0xd6: {  	[sflag:s5] =	ssyncadd.s32 $0xFFFFE000  }
0xd7: {  	_ =	swait.ge [sflag:s16], $0x2000  }
0xd8: {  	[sflag:s16] =	ssyncset.done $0x0  }
0xd9: {  	[sflag:s16] =	ssyncadd.s32 $0xFFFFE000  }
0xda: {  	_ =	swait.ge [sflag:s14], $0x2000  }
0xdb: {  	[sflag:s14] =	ssyncset.done $0x0  }
0xdc: {  	[sflag:s14] =	ssyncadd.s32 $0xFFFFE000  }
0xdd: {  	[hbm4b:s7+s2] =	stream.linear.scatter [tilespmem:s11], [sflag:$0x5], $0x2000, $0x38;
	[tilespmem:$0x8400] =	vst v63  }
0xde: {  	p1 =	sne.s32 s0, $0x1;
	_ =	swait.ge [sflag:s5], $0x2000  }
.Ltmp2:
0xdf: {  	[sflag:s5] =	ssyncset.done $0x0;
	(pc) =	sbr.rel @p1 .LBB2_2-.Ltmp2, $4  }
0xe0: {  	[sflag:s5] =	ssyncadd.s32 $0xFFFFE000  }
0xe1: {  	[hbm4b:s6+s2] =	stream.linear.scatter [tilespmem:s10], [sflag:$0x5], $0x2000, $0x38;
	[tilespmem:$0x8400] =	vst v63  }
0xe2: {  	_ =	swait.ge [sflag:s5], $0x2000  }
0xe3: {  	s0 =	sadd.s32 $0xFFFFFFFF, s0;
	s1 =	rddreg [dreg:$0x4];
	[sflag:s5] =	ssyncset.done $0x0  }
.LBB2_3:
0xe4: {  	[sflag:s5] =	ssyncadd.s32 @p0 $0xFFFFE000  }
0xe5: {  	[tilespmem:s2], [sflag:$0x5] =	stream.linear.gather [hbm4b:s1+s2], $0x80, $0x38;
	[tilespmem:$0x8400] =	vst v63  }
0xe6: {  	_ =	swait.ge [sflag:s5], $0x80  }
0xe7: {  	[sflag:s5] =	ssyncset.done $0x0  }
0xe8: {  	s0 =	rddreg [dreg:$0x5];
	[sflag:s5] =	ssyncadd.s32 $0xFFFFFF80  }
0xe9: {  	[tilespmem:s30], [sflag:$0x5] =	stream.linear.gather [hbm4b:s0+s2], $0x80, $0x38;
	[tilespmem:$0x8400] =	vst v63  }
0xea: {  	_ =	swait.ge [sflag:s5], $0x80  }
0xeb: {  	[sflag:s5] =	ssyncset.done $0x0  }
0xec: {  	s1 =	rddreg [dreg:$0x6];
	[sflag:s5] =	ssyncadd.s32 $0xFFFFFF80  }
0xed: {  	[tilespmem:s18], [sflag:$0x5] =	stream.linear.gather [hbm4b:s1+s2], $0x80, $0x38;
	[tilespmem:$0x8400] =	vst v63  }
0xee: {  	_ =	swait.ge [sflag:s5], $0x80  }
0xef: {  	[sflag:s5] =	ssyncset.done $0x0  }
0xf0: {  	s1 =	rddreg [dreg:$0x7];
	[sflag:s5] =	ssyncadd.s32 $0xFFFFFF80  }
0xf1: {  	[tilespmem:s31], [sflag:$0x5] =	stream.linear.gather [hbm4b:s1+s2], $0x80, $0x38;
	[tilespmem:$0x8400] =	vst v63  }
0xf2: {  	_ =	swait.ge [sflag:s5], $0x80  }
0xf3: {  	[sflag:s5] =	ssyncset.done $0x0  }
0xf4: {  	s1 =	rddreg [dreg:$0x8];
	[sflag:s5] =	ssyncadd.s32 $0xFFFFFF80  }
0xf5: {  	[tilespmem:s25], [sflag:$0x5] =	stream.linear.gather [hbm4b:s1+s2], $0x80, $0x38;
	[tilespmem:$0x8400] =	vst v63  }
0xf6: {  	_ =	swait.ge [sflag:s5], $0x80  }
0xf7: {  	[sflag:s5] =	ssyncset.done $0x0  }
0xf8: {  	s1 =	rddreg [dreg:$0x9];
	[sflag:s5] =	ssyncadd.s32 $0xFFFFFF80  }
0xf9: {  	[tilespmem:s26], [sflag:$0x5] =	stream.linear.gather [hbm4b:s1+s2], $0x80, $0x38;
	[tilespmem:$0x8400] =	vst v63  }
0xfa: {  	_ =	swait.ge [sflag:s5], $0x80  }
0xfb: {  	[sflag:s5] =	ssyncset.done $0x0  }
0xfc: {  	[sflag:s5] =	ssyncadd.s32 $0xFFFFFF80  }
0xfd: {  	[tilespmem:s19], [sflag:$0x5] =	stream.linear.gather [hbm4b:s29+s2], $0x80, $0x38;
	[tilespmem:$0x8400] =	vst v63  }
0xfe: {  	_ =	swait.ge [sflag:s5], $0x80  }
0xff: {  	[sflag:s5] =	ssyncset.done $0x0  }
0x100: {  	[sflag:s5] =	ssyncadd.s32 $0xFFFFFF80  }
0x101: {  	[tilespmem:s20], [sflag:$0x5] =	stream.linear.gather [hbm4b:s28+s2], $0x80, $0x38;
	[tilespmem:$0x8400] =	vst v63  }
0x102: {  	_ =	swait.ge [sflag:s5], $0x80  }
0x103: {  	[sflag:s5] =	ssyncset.done $0x0  }
0x104: {  	[sflag:s5] =	ssyncadd.s32 $0xFFFFFF80  }
0x105: {  	[tilespmem:s17], [sflag:$0x1] =	stream.indirect.gather [hbm4b:s3+s18], $0x40, s2, s18, $0xb8;
	[tilespmem:$0x8400] =	vst v63  }
0x106: {  	_ = 	snop  }
0x107: {  	[tilespmem:s13], [sflag:$0x2] =	stream.indirect.gather [hbm4b:s4+s18], $0x40, s30, s18, $0xb8;
	[tilespmem:$0x8400] =	vst v63  }
0x108: {  	_ = 	snop  }
0x109: {  	[tilespmem:s11], [sflag:$0x3] =	stream.indirect.gather [hbm4b:s3+s18], $0x40, s18, s18, $0xb8;
	[tilespmem:$0x8400] =	vst v63  }
0x10a: {  	_ = 	snop  }
0x10b: {  	[tilespmem:s10], [sflag:$0x4] =	stream.indirect.gather [hbm4b:s4+s18], $0x40, s31, s18, $0xb8;
	[tilespmem:$0x8400] =	vst v63  }
0x10c: {  	_ =	swait.ge [sflag:s23], $0x2000  }
0x10d: {  	[sflag:s23] =	ssyncset.done $0x0  }
0x10e: {  	[sflag:s23] =	ssyncadd.s32 $0xFFFFE000  }
0x10f: {  	_ =	swait.ge [sflag:s21], $0x2000  }
0x110: {  	[sflag:s21] =	ssyncset.done $0x0  }
0x111: {  	[sflag:s21] =	ssyncadd.s32 $0xFFFFE000  }
0x112: {  	[hbm4b:s24+s2] =	stream.linear.scatter [tilespmem:s17], [sflag:$0x5], $0x2000, $0x38;
	[tilespmem:$0x8400] =	vst v63  }
0x113: {  	_ =	swait.ge [sflag:s5], $0x2000  }
0x114: {  	[sflag:s5] =	ssyncset.done $0x0  }
0x115: {  	[sflag:s5] =	ssyncadd.s32 $0xFFFFE000  }
0x116: {  	[hbm4b:s22+s2] =	stream.linear.scatter [tilespmem:s13], [sflag:$0x5], $0x2000, $0x38;
	[tilespmem:$0x8400] =	vst v63  }
0x117: {  	_ =	swait.ge [sflag:s5], $0x2000  }
0x118: {  	[sflag:s5] =	ssyncset.done $0x0  }
0x119: {  	[sflag:s5] =	ssyncadd.s32 $0xFFFFE000  }
0x11a: {  	[tilespmem:s17], [sflag:$0x1] =	stream.indirect.gather [hbm4b:s3+s18], $0x40, s25, s18, $0xb8;
	[tilespmem:$0x8400] =	vst v63  }
0x11b: {  	_ = 	snop  }
0x11c: {  	[tilespmem:s13], [sflag:$0x2] =	stream.indirect.gather [hbm4b:s4+s18], $0x40, s26, s18, $0xb8;
	[tilespmem:$0x8400] =	vst v63  }
0x11d: {  	_ =	swait.ge [sflag:s16], $0x2000  }
0x11e: {  	[sflag:s16] =	ssyncset.done $0x0  }
0x11f: {  	[sflag:s16] =	ssyncadd.s32 $0xFFFFE000  }
0x120: {  	_ =	swait.ge [sflag:s14], $0x2000  }
0x121: {  	[sflag:s14] =	ssyncset.done $0x0  }
0x122: {  	[sflag:s14] =	ssyncadd.s32 $0xFFFFE000  }
0x123: {  	[hbm4b:s15+s2] =	stream.linear.scatter [tilespmem:s11], [sflag:$0x5], $0x2000, $0x38;
	[tilespmem:$0x8400] =	vst v63  }
0x124: {  	_ =	swait.ge [sflag:s5], $0x2000  }
0x125: {  	[sflag:s5] =	ssyncset.done $0x0  }
0x126: {  	[sflag:s5] =	ssyncadd.s32 $0xFFFFE000  }
0x127: {  	[hbm4b:s12+s2] =	stream.linear.scatter [tilespmem:s10], [sflag:$0x5], $0x2000, $0x38;
	[tilespmem:$0x8400] =	vst v63  }
0x128: {  	_ =	swait.ge [sflag:s5], $0x2000  }
0x129: {  	[sflag:s5] =	ssyncset.done $0x0  }
0x12a: {  	[sflag:s5] =	ssyncadd.s32 $0xFFFFE000  }
0x12b: {  	[tilespmem:s11], [sflag:$0x3] =	stream.indirect.gather [hbm4b:s3+s18], $0x40, s19, s18, $0xb8;
	[tilespmem:$0x8400] =	vst v63  }
0x12c: {  	_ = 	snop  }
0x12d: {  	[tilespmem:s10], [sflag:$0x4] =	stream.indirect.gather [hbm4b:s4+s18], $0x40, s20, s18, $0xb8;
	[tilespmem:$0x8400] =	vst v63  }
0x12e: {  	_ =	swait.ge [sflag:s23], $0x2000  }
0x12f: {  	[sflag:s23] =	ssyncset.done $0x0  }
0x130: {  	[sflag:s23] =	ssyncadd.s32 $0xFFFFE000  }
0x131: {  	_ =	swait.ge [sflag:s21], $0x2000  }
0x132: {  	[sflag:s21] =	ssyncset.done $0x0  }
0x133: {  	[sflag:s21] =	ssyncadd.s32 $0xFFFFE000  }
0x134: {  	[hbm4b:s9+s2] =	stream.linear.scatter [tilespmem:s17], [sflag:$0x5], $0x2000, $0x38;
	[tilespmem:$0x8400] =	vst v63  }
0x135: {  	_ =	swait.ge [sflag:s5], $0x2000  }
0x136: {  	[sflag:s5] =	ssyncset.done $0x0  }
0x137: {  	[sflag:s5] =	ssyncadd.s32 $0xFFFFE000  }
0x138: {  	[hbm4b:s8+s2] =	stream.linear.scatter [tilespmem:s13], [sflag:$0x5], $0x2000, $0x38;
	[tilespmem:$0x8400] =	vst v63  }
0x139: {  	_ =	swait.ge [sflag:s5], $0x2000  }
0x13a: {  	[sflag:s5] =	ssyncset.done $0x0  }
0x13b: {  	[sflag:s5] =	ssyncadd.s32 $0xFFFFE000  }
0x13c: {  	_ =	swait.ge [sflag:s16], $0x2000  }
0x13d: {  	[sflag:s16] =	ssyncset.done $0x0  }
0x13e: {  	[sflag:s16] =	ssyncadd.s32 $0xFFFFE000  }
0x13f: {  	_ =	swait.ge [sflag:s14], $0x2000  }
0x140: {  	[sflag:s14] =	ssyncset.done $0x0  }
0x141: {  	[sflag:s14] =	ssyncadd.s32 $0xFFFFE000  }
0x142: {  	[hbm4b:s7+s2] =	stream.linear.scatter [tilespmem:s11], [sflag:$0x5], $0x2000, $0x38;
	[tilespmem:$0x8400] =	vst v63  }
0x143: {  	_ =	swait.ge [sflag:s5], $0x2000  }
0x144: {  	[sflag:s5] =	ssyncset.done $0x0  }
0x145: {  	[sflag:s5] =	ssyncadd.s32 $0xFFFFE000  }
0x146: {  	[hbm4b:s6+s2] =	stream.linear.scatter [tilespmem:s10], [sflag:$0x5], $0x2000, $0x38;
	[tilespmem:$0x8400] =	vst v63  }
0x147: {  	_ =	swait.ge [sflag:s5], $0x2000  }
0x148: {  	[sflag:s5] =	ssyncset.done $0x0  }
0x149: {  	[sflag:s5] =	ssyncadd.s32 $0xFFFFE000  }
0x14a: {  	_ =	sfence.sel $0x180000  }
0x14b: {  	[bflag:$0x0] =	sbarrier.arrive $0xFFFF  }
0x14c: {  	_ =	strace $0x90000047  }
0x14d: {  	s31 =	stileid.u32;
	[bflag:$0x2] =	sbarrier.arrive $0xFFFF  }
0x14e: {  	p0 =	sne.s32 s31, $0x0;
	s0 =	rddreg [dreg:$0x3]  }
0x14f: {  	s0 =	sadd.s32 @!p0 $0x100000, s0  }
0x150: {  	[sflag:s0] =	ssyncadd.tile.s32 @!p0 $0x1;
	_ =	shalt  }
.Lfunc_end2:
_tile_overlayer_lowered:
.L_overlay_start_2:
0x151: {  	(tag) =	ssettag $0x2  }
0x152: {  	s0 =	rddreg [dreg:$0x0];
	s2 =	stileid.u32  }
0x153: {  	s1 =	rddreg [dreg:$0x1];
	p0 =	sne.s32 s2, $0x0  }
0x154: {  	s3 =	rddreg [dreg:$0x2];
	[bflag:$0x3] =	sbarrier.arrive $0xFFFF;
	s2 =	simm.s32 @!p0 $0x1C05  }
0x155: {  	[timem:s3], [sflag:s2] =	dma.local @!p0 [hbm:s0], s1  }
0x156: {  	s0 =	simm.s32 @!p0 $0x5  }
0x157: {  	_ =	swait.ge @!p0 [sflag:s0], s1  }
0x158: {  	s1 =	ssub.s32 @!p0 $0x0, s1;
	[sflag:s0] =	ssyncset.done @!p0 $0x0  }
0x159: {  	[sflag:s0] =	ssyncadd.s32 @!p0 s1  }
0x15a: {  	[bflag:$0x3] =	sbarrier.arrive $0xFFFF  }
0x15b: {  	_ =	shalt  }

</sc_bundles>
